<compile_context>
chip_gen: v7x
topology: tpu7x:2x2x1
jax: 0.10.2.dev20260603
libtpu: 0.0.44.dev20260713+nightly
codegen_flags: <defaults>
</compile_context>

<pallas_src>
import functools

import jax
import jax.numpy as jnp
from jax import lax
from jax.experimental import pallas as pl
from jax.experimental.pallas import tpu as pltpu
from jax.experimental.pallas import tpu_sc as plsc

DIM = 64
LANES = 16
CHUNK = 256
NBUF = 4

_ROUND_MAGIC = 8388608.0


def _sc_gather(arr, idx_flat, n_total, n_per_worker):
    n_chunks = n_per_worker // CHUNK
    lead = NBUF // 2
    assert (n_chunks - 2 * lead) % NBUF == 0

    mesh = plsc.VectorSubcoreMesh(core_axis_name="c", subcore_axis_name="s")

    @functools.partial(
        pl.kernel,
        mesh=mesh,
        out_type=[
            jax.ShapeDtypeStruct((n_total, DIM), jnp.float32),
            jax.ShapeDtypeStruct((n_total,), jnp.float32),
        ],
        scratch_types=[
            pltpu.VMEM((n_per_worker,), jnp.float32),
            pltpu.VMEM((n_per_worker,), jnp.int32),
            pltpu.VMEM((n_per_worker,), jnp.float32),
            [pltpu.VMEM((CHUNK, DIM), jnp.float32)] * NBUF,
            [pltpu.SemaphoreType.DMA] * NBUF,
            [pltpu.SemaphoreType.DMA] * NBUF,
            pltpu.SemaphoreType.DMA,
        ],
        compiler_params=pltpu.CompilerParams(use_tc_tiling_on_sc=False),
    )
    def k(arr_hbm, idxf_hbm, out_hbm, res_hbm, idxf_v, idx_v, res_v,
          rows_v, gsems, ssems, rsem):
        nc = 2
        wid = lax.axis_index("s") * nc + lax.axis_index("c")
        base = wid * n_per_worker

        pltpu.sync_copy(idxf_hbm.at[pl.ds(base, n_per_worker)], idxf_v)

        def round_body(i, carry):
            x = idxf_v[pl.ds(i * LANES, LANES)]
            r = (x + _ROUND_MAGIC) - _ROUND_MAGIC
            res_v[pl.ds(i * LANES, LANES)] = x - r
            idx_v[pl.ds(i * LANES, LANES)] = r.astype(jnp.int32)
            return carry

        lax.fori_loop(0, n_per_worker // LANES, round_body, 0)

        res_copy = pltpu.async_copy(
            res_v, res_hbm.at[pl.ds(base, n_per_worker)], rsem
        )

        def start_gather(j, b):
            idx_ref = idx_v.at[pl.ds(j * CHUNK, CHUNK)]
            pltpu.async_copy(arr_hbm.at[idx_ref], rows_v[b], gsems[b])

        def wait_gather(b):
            idx_ref = idx_v.at[pl.ds(0, CHUNK)]
            pltpu.make_async_copy(arr_hbm.at[idx_ref], rows_v[b], gsems[b]).wait()

        def start_store(j, b):
            pltpu.async_copy(
                rows_v[b], out_hbm.at[pl.ds(base + j * CHUNK, CHUNK)], ssems[b]
            )

        def wait_store(b):
            pltpu.make_async_copy(
                rows_v[b], out_hbm.at[pl.ds(base, CHUNK)], ssems[b]
            ).wait()

        for j in range(lead):
            start_gather(j, j % NBUF)
        for j in range(lead):
            start_gather(j + lead, (j + lead) % NBUF)
            wait_gather(j % NBUF)
            start_store(j, j % NBUF)

        def steady(jo, carry):
            for bi in range(NBUF):
                j = lead + jo * NBUF + bi
                b = (lead + bi) % NBUF
                b2 = (b + lead) % NBUF
                wait_store(b2)
                start_gather(j + lead, b2)
                wait_gather(b)
                start_store(j, b)
            return carry

        lax.fori_loop(0, (n_chunks - 2 * lead) // NBUF, steady, 0)

        for j in range(n_chunks - lead, n_chunks):
            b = j % NBUF
            wait_gather(b)
            start_store(j, b)
        for j in range(n_chunks - NBUF, n_chunks):
            wait_store(j % NBUF)
        res_copy.wait()

    return k(arr, idx_flat)


def kernel(arr, index):
    batch, fields = index.shape
    n_total = batch * fields
    n_per_worker = n_total // 32
    idx_flat = index.reshape(n_total)
    rows, res = _sc_gather(arr, idx_flat, n_total, n_per_worker)
    return rows.reshape(batch, fields, DIM), res.reshape(batch, fields)

# --- scband reference (transcript-rebuilt; emitter-appended) ---
"""Pipeline reference for scband-residual-lookup-21844203667956 (READ-ONLY COPY).

The authoritative reference and input builder live on the scoring server;
editing this copy changes nothing except your own understanding.
"""

import jax, jax.numpy as jnp
import numpy as np

VOCAB = 1000000
DIM = 64
BATCH = 16384
FIELDS = 26

def setup_inputs(seed: int = 0) -> dict:
    key = jax.random.key(seed)
    k1, k2 = jax.random.split(key)
    arr = jax.random.normal(k1, (VOCAB, DIM), dtype=jnp.float32)
    # float-valued indices in [0, VOCAB-1); rounding yields valid integer rows
    index = jax.random.uniform(k2, (BATCH, FIELDS), minval=0.0, maxval=float(VOCAB - 1), dtype=jnp.float32)
    return {"arr": arr, "index": index}

def reference(arr, index):
    i = jnp.round(index)
    residue = index - i
    i = i.astype(jnp.int32)
    result = jnp.take(arr, i, axis=0)
    return (result, residue)

if __name__ == "__main__":
    import jax
    _d = setup_inputs()
    print(jax.jit(kernel)(*tuple(_d.values())))

</pallas_src>

<mosaic_0001>
#map = affine_map<(d0, d1) -> (0, 0)>
#map1 = affine_map<(d0, d1) -> (0)>
module attributes {stable_mosaic.version = 14 : i64} {
  func.func @k(%arg0: i32, %arg1: i32, %arg2: memref<1000000x64xf32, #tpu.memory_space<hbm>>, %arg3: memref<425984xf32, #tpu.memory_space<hbm>>, %arg4: memref<425984x64xf32, #tpu.memory_space<hbm>>, %arg5: memref<425984xf32, #tpu.memory_space<hbm>>, %arg6: memref<13312xf32, #tpu.memory_space<vmem>>, %arg7: memref<13312xi32, #tpu.memory_space<vmem>>, %arg8: memref<13312xf32, #tpu.memory_space<vmem>>, %arg9: memref<256x64xf32, #tpu.memory_space<vmem>>, %arg10: memref<256x64xf32, #tpu.memory_space<vmem>>, %arg11: memref<256x64xf32, #tpu.memory_space<vmem>>, %arg12: memref<256x64xf32, #tpu.memory_space<vmem>>, %arg13: memref<!tpu.dma_semaphore, #tpu.memory_space<semaphore_mem>>, %arg14: memref<!tpu.dma_semaphore, #tpu.memory_space<semaphore_mem>>, %arg15: memref<!tpu.dma_semaphore, #tpu.memory_space<semaphore_mem>>, %arg16: memref<!tpu.dma_semaphore, #tpu.memory_space<semaphore_mem>>, %arg17: memref<!tpu.dma_semaphore, #tpu.memory_space<semaphore_mem>>, %arg18: memref<!tpu.dma_semaphore, #tpu.memory_space<semaphore_mem>>, %arg19: memref<!tpu.dma_semaphore, #tpu.memory_space<semaphore_mem>>, %arg20: memref<!tpu.dma_semaphore, #tpu.memory_space<semaphore_mem>>, %arg21: memref<!tpu.dma_semaphore, #tpu.memory_space<semaphore_mem>>) attributes {dimension_semantics = [#tpu.dimension_semantics<core_parallel>, #tpu.dimension_semantics<subcore_parallel>], iteration_bounds = array<i64: 2, 16>, scalar_prefetch = 0 : i64, scratch_operands = 16 : i64, tpu.core_type = #tpu.core_type<sc_vector_subcore>, window_params = [{transform_indices = #map}, {transform_indices = #map1}, {transform_indices = #map}, {transform_indices = #map1}]} {
    %mul3A = arith.constant 2 : i32
    %mul3A_0 = arith.muli %arg1, %mul3A : i32
    %add3A = arith.addi %mul3A_0, %arg0 : i32
    %mul3A_1 = arith.constant 13312 : i32
    %mul3A_2 = arith.muli %add3A, %mul3A_1 : i32
    "tpu.region"() ({
      %run_scoped3A = tpu.sem_alloc : memref<!tpu.dma_semaphore, #tpu.memory_space<semaphore_mem>>
      %dma_start3A_96 = tpu.memref_slice %arg3[%mul3A_2] : memref<425984xf32, #tpu.memory_space<hbm>> -> memref<13312xf32, #tpu.memory_space<hbm>>
      %dma_start3A_97 = tpu.memref_slice %arg3[%mul3A_2] : memref<425984xf32, #tpu.memory_space<hbm>> -> memref<13312xf32, #tpu.memory_space<hbm>>
      tpu.enqueue_dma source(%dma_start3A_97 : memref<13312xf32, #tpu.memory_space<hbm>>) target(%arg6 : memref<13312xf32, #tpu.memory_space<vmem>>) target_semaphore(%run_scoped3A : memref<!tpu.dma_semaphore, #tpu.memory_space<semaphore_mem>>)
      %dma_wait3A_98 = tpu.memref_slice %arg3[%mul3A_2] : memref<425984xf32, #tpu.memory_space<hbm>> -> memref<13312xf32, #tpu.memory_space<hbm>>
      %dma_wait3A_99 = tpu.memref_slice %arg3[%mul3A_2] : memref<425984xf32, #tpu.memory_space<hbm>> -> memref<13312xf32, #tpu.memory_space<hbm>>
      tpu.wait_dma2 semaphore(%run_scoped3A : memref<!tpu.dma_semaphore, #tpu.memory_space<semaphore_mem>>) src(%dma_wait3A_99 : memref<13312xf32, #tpu.memory_space<hbm>>) dst(%arg6 : memref<13312xf32, #tpu.memory_space<vmem>>)
      tpu.yield
    }) : () -> ()
    %scan3A = arith.constant 0 : i32
    %scan3A_3 = arith.constant 0 : i32
    %scan3A_4 = arith.constant 832 : i32
    %scan3A_5 = arith.addi %scan3A_3, %scan3A_4 : i32
    %scan3A_6 = arith.constant 1 : i32
    scf.for %scan3A_96 = %scan3A_3 to %scan3A_5 step %scan3A_6  : i32 {
      %mul3A_97 = arith.constant 16 : i32
      %mul3A_98 = arith.muli %scan3A_96, %mul3A_97 : i32
      %get3A = arith.index_cast %mul3A_98 : i32 to index
      %get3A_99 = tpu.vector_load %arg6[%get3A] {strides = array<i32>} : memref<13312xf32, #tpu.memory_space<vmem>>, vector<16xf32>,
      %get3A_100 = vector.shape_cast %get3A_99 : vector<16xf32> to vector<16xf32>
      %add3A_101 = arith.constant 0x4B000000 : f32
      %add3A_102 = vector.broadcast %add3A_101 : f32 to vector<16xf32>
      %add3A_103 = arith.addf %get3A_100, %add3A_102 : vector<16xf32>
      %sub3A = arith.constant 0x4B000000 : f32
      %sub3A_104 = vector.broadcast %sub3A : f32 to vector<16xf32>
      %sub3A_105 = arith.subf %add3A_103, %sub3A_104 : vector<16xf32>
      %sub3A_106 = arith.subf %get3A_100, %sub3A_105 : vector<16xf32>
      %mul3A_107 = arith.constant 16 : i32
      %mul3A_108 = arith.muli %scan3A_96, %mul3A_107 : i32
      %swap3A = arith.index_cast %mul3A_108 : i32 to index
      %swap3A_109 = tpu.vector_load %arg8[%swap3A] {strides = array<i32>} : memref<13312xf32, #tpu.memory_space<vmem>>, vector<16xf32>,
      %swap3A_110 = vector.shape_cast %swap3A_109 : vector<16xf32> to vector<16xf32>
      %swap3A_111 = vector.shape_cast %sub3A_106 : vector<16xf32> to vector<16xf32>
      tpu.vector_store %arg8[%swap3A], %swap3A_111 {strides = array<i32>} : memref<13312xf32, #tpu.memory_space<vmem>>, vector<16xf32>,
      %convert_element_type3A = arith.fptosi %sub3A_105 : vector<16xf32> to vector<16xi32>
      %mul3A_112 = arith.constant 16 : i32
      %mul3A_113 = arith.muli %scan3A_96, %mul3A_112 : i32
      %swap3A_114 = arith.index_cast %mul3A_113 : i32 to index
      %swap3A_115 = tpu.vector_load %arg7[%swap3A_114] {strides = array<i32>} : memref<13312xi32, #tpu.memory_space<vmem>>, vector<16xi32>,
      %swap3A_116 = vector.shape_cast %swap3A_115 : vector<16xi32> to vector<16xi32>
      %swap3A_117 = vector.shape_cast %convert_element_type3A : vector<16xi32> to vector<16xi32>
      tpu.vector_store %arg7[%swap3A_114], %swap3A_117 {strides = array<i32>} : memref<13312xi32, #tpu.memory_space<vmem>>, vector<16xi32>,
    }
    %scan3A_7 = arith.constant 832 : i32
    %dma_start3A = tpu.memref_slice %arg5[%mul3A_2] : memref<425984xf32, #tpu.memory_space<hbm>> -> memref<13312xf32, #tpu.memory_space<hbm>>
    %dma_start3A_8 = tpu.memref_slice %arg5[%mul3A_2] : memref<425984xf32, #tpu.memory_space<hbm>> -> memref<13312xf32, #tpu.memory_space<hbm>>
    tpu.enqueue_dma source(%arg8 : memref<13312xf32, #tpu.memory_space<vmem>>) target(%dma_start3A_8 : memref<13312xf32, #tpu.memory_space<hbm>>) target_semaphore(%arg21 : memref<!tpu.dma_semaphore, #tpu.memory_space<semaphore_mem>>)
    %dma_start3A_9 = arith.constant 0 : i32
    %dma_start3A_10 = tpu.memref_slice %arg7[%dma_start3A_9] : memref<13312xi32, #tpu.memory_space<vmem>> -> memref<256xi32, #tpu.memory_space<vmem>>
    %dma_start3A_11 = arith.constant 0 : i32
    %dma_start3A_12 = arith.constant 0 : i32
    %dma_start3A_13 = tpu.memref_slice %arg2[%dma_start3A_11, %dma_start3A_12] : memref<1000000x64xf32, #tpu.memory_space<hbm>> -> memref<1000000x64xf32, #tpu.memory_space<hbm>>
    tpu.enqueue_indirect_dma source(%dma_start3A_13 : memref<1000000x64xf32, #tpu.memory_space<hbm>>) target(%arg9 : memref<256x64xf32, #tpu.memory_space<vmem>>) offsets(%dma_start3A_10 : memref<256xi32, #tpu.memory_space<vmem>>) semaphore(%arg13 : memref<!tpu.dma_semaphore, #tpu.memory_space<semaphore_mem>>)
    %dma_start3A_14 = arith.constant 256 : i32
    %dma_start3A_15 = tpu.memref_slice %arg7[%dma_start3A_14] : memref<13312xi32, #tpu.memory_space<vmem>> -> memref<256xi32, #tpu.memory_space<vmem>>
    %dma_start3A_16 = arith.constant 0 : i32
    %dma_start3A_17 = arith.constant 0 : i32
    %dma_start3A_18 = tpu.memref_slice %arg2[%dma_start3A_16, %dma_start3A_17] : memref<1000000x64xf32, #tpu.memory_space<hbm>> -> memref<1000000x64xf32, #tpu.memory_space<hbm>>
    tpu.enqueue_indirect_dma source(%dma_start3A_18 : memref<1000000x64xf32, #tpu.memory_space<hbm>>) target(%arg10 : memref<256x64xf32, #tpu.memory_space<vmem>>) offsets(%dma_start3A_15 : memref<256xi32, #tpu.memory_space<vmem>>) semaphore(%arg14 : memref<!tpu.dma_semaphore, #tpu.memory_space<semaphore_mem>>)
    %dma_start3A_19 = arith.constant 512 : i32
    %dma_start3A_20 = tpu.memref_slice %arg7[%dma_start3A_19] : memref<13312xi32, #tpu.memory_space<vmem>> -> memref<256xi32, #tpu.memory_space<vmem>>
    %dma_start3A_21 = arith.constant 0 : i32
    %dma_start3A_22 = arith.constant 0 : i32
    %dma_start3A_23 = tpu.memref_slice %arg2[%dma_start3A_21, %dma_start3A_22] : memref<1000000x64xf32, #tpu.memory_space<hbm>> -> memref<1000000x64xf32, #tpu.memory_space<hbm>>
    tpu.enqueue_indirect_dma source(%dma_start3A_23 : memref<1000000x64xf32, #tpu.memory_space<hbm>>) target(%arg11 : memref<256x64xf32, #tpu.memory_space<vmem>>) offsets(%dma_start3A_20 : memref<256xi32, #tpu.memory_space<vmem>>) semaphore(%arg15 : memref<!tpu.dma_semaphore, #tpu.memory_space<semaphore_mem>>)
    %dma_wait3A = arith.constant 0 : i32
    %dma_wait3A_24 = tpu.memref_slice %arg7[%dma_wait3A] : memref<13312xi32, #tpu.memory_space<vmem>> -> memref<256xi32, #tpu.memory_space<vmem>>
    %dma_wait3A_25 = arith.constant 0 : i32
    %dma_wait3A_26 = arith.constant 0 : i32
    %dma_wait3A_27 = tpu.memref_slice %arg2[%dma_wait3A_25, %dma_wait3A_26] : memref<1000000x64xf32, #tpu.memory_space<hbm>> -> memref<1000000x64xf32, #tpu.memory_space<hbm>>
    tpu.wait_indirect_dma semaphore(%arg13 : memref<!tpu.dma_semaphore, #tpu.memory_space<semaphore_mem>>) src(%dma_wait3A_27 : memref<1000000x64xf32, #tpu.memory_space<hbm>>) dst(%arg9 : memref<256x64xf32, #tpu.memory_space<vmem>>)
    %add3A_28 = arith.constant 0 : i32
    %add3A_29 = arith.addi %mul3A_2, %add3A_28 : i32
    %dma_start3A_30 = arith.constant 0 : i32
    %dma_start3A_31 = tpu.memref_slice %arg4[%add3A_29, %dma_start3A_30] : memref<425984x64xf32, #tpu.memory_space<hbm>> -> memref<256x64xf32, #tpu.memory_space<hbm>>
    %dma_start3A_32 = arith.constant 0 : i32
    %dma_start3A_33 = tpu.memref_slice %arg4[%add3A_29, %dma_start3A_32] : memref<425984x64xf32, #tpu.memory_space<hbm>> -> memref<256x64xf32, #tpu.memory_space<hbm>>
    tpu.enqueue_dma source(%arg9 : memref<256x64xf32, #tpu.memory_space<vmem>>) target(%dma_start3A_33 : memref<256x64xf32, #tpu.memory_space<hbm>>) target_semaphore(%arg17 : memref<!tpu.dma_semaphore, #tpu.memory_space<semaphore_mem>>)
    %dma_start3A_34 = arith.constant 768 : i32
    %dma_start3A_35 = tpu.memref_slice %arg7[%dma_start3A_34] : memref<13312xi32, #tpu.memory_space<vmem>> -> memref<256xi32, #tpu.memory_space<vmem>>
    %dma_start3A_36 = arith.constant 0 : i32
    %dma_start3A_37 = arith.constant 0 : i32
    %dma_start3A_38 = tpu.memref_slice %arg2[%dma_start3A_36, %dma_start3A_37] : memref<1000000x64xf32, #tpu.memory_space<hbm>> -> memref<1000000x64xf32, #tpu.memory_space<hbm>>
    tpu.enqueue_indirect_dma source(%dma_start3A_38 : memref<1000000x64xf32, #tpu.memory_space<hbm>>) target(%arg12 : memref<256x64xf32, #tpu.memory_space<vmem>>) offsets(%dma_start3A_35 : memref<256xi32, #tpu.memory_space<vmem>>) semaphore(%arg16 : memref<!tpu.dma_semaphore, #tpu.memory_space<semaphore_mem>>)
    %dma_wait3A_39 = arith.constant 0 : i32
    %dma_wait3A_40 = tpu.memref_slice %arg7[%dma_wait3A_39] : memref<13312xi32, #tpu.memory_space<vmem>> -> memref<256xi32, #tpu.memory_space<vmem>>
    %dma_wait3A_41 = arith.constant 0 : i32
    %dma_wait3A_42 = arith.constant 0 : i32
    %dma_wait3A_43 = tpu.memref_slice %arg2[%dma_wait3A_41, %dma_wait3A_42] : memref<1000000x64xf32, #tpu.memory_space<hbm>> -> memref<1000000x64xf32, #tpu.memory_space<hbm>>
    tpu.wait_indirect_dma semaphore(%arg14 : memref<!tpu.dma_semaphore, #tpu.memory_space<semaphore_mem>>) src(%dma_wait3A_43 : memref<1000000x64xf32, #tpu.memory_space<hbm>>) dst(%arg10 : memref<256x64xf32, #tpu.memory_space<vmem>>)
    %add3A_44 = arith.constant 256 : i32
    %add3A_45 = arith.addi %mul3A_2, %add3A_44 : i32
    %dma_start3A_46 = arith.constant 0 : i32
    %dma_start3A_47 = tpu.memref_slice %arg4[%add3A_45, %dma_start3A_46] : memref<425984x64xf32, #tpu.memory_space<hbm>> -> memref<256x64xf32, #tpu.memory_space<hbm>>
    %dma_start3A_48 = arith.constant 0 : i32
    %dma_start3A_49 = tpu.memref_slice %arg4[%add3A_45, %dma_start3A_48] : memref<425984x64xf32, #tpu.memory_space<hbm>> -> memref<256x64xf32, #tpu.memory_space<hbm>>
    tpu.enqueue_dma source(%arg10 : memref<256x64xf32, #tpu.memory_space<vmem>>) target(%dma_start3A_49 : memref<256x64xf32, #tpu.memory_space<hbm>>) target_semaphore(%arg18 : memref<!tpu.dma_semaphore, #tpu.memory_space<semaphore_mem>>)
    %scan3A_50 = arith.constant 0 : i32
    %scan3A_51 = arith.constant 0 : i32
    %scan3A_52 = arith.constant 12 : i32
    %scan3A_53 = arith.addi %scan3A_51, %scan3A_52 : i32
    %scan3A_54 = arith.constant 1 : i32
    scf.for %scan3A_96 = %scan3A_51 to %scan3A_53 step %scan3A_54  : i32 {
      %mul3A_97 = arith.constant 4 : i32
      %mul3A_98 = arith.muli %scan3A_96, %mul3A_97 : i32
      %add3A_99 = arith.constant 2 : i32
      %add3A_100 = arith.addi %add3A_99, %mul3A_98 : i32
      %add3A_101 = arith.constant 0 : i32
      %add3A_102 = arith.addi %add3A_100, %add3A_101 : i32
      %dma_wait3A_103 = arith.constant 0 : i32
      %dma_wait3A_104 = tpu.memref_slice %arg4[%mul3A_2, %dma_wait3A_103] : memref<425984x64xf32, #tpu.memory_space<hbm>> -> memref<256x64xf32, #tpu.memory_space<hbm>>
      %dma_wait3A_105 = arith.constant 0 : i32
      %dma_wait3A_106 = tpu.memref_slice %arg4[%mul3A_2, %dma_wait3A_105] : memref<425984x64xf32, #tpu.memory_space<hbm>> -> memref<256x64xf32, #tpu.memory_space<hbm>>
      tpu.wait_dma2 semaphore(%arg17 : memref<!tpu.dma_semaphore, #tpu.memory_space<semaphore_mem>>) src(%arg9 : memref<256x64xf32, #tpu.memory_space<vmem>>) dst(%dma_wait3A_106 : memref<256x64xf32, #tpu.memory_space<hbm>>)
      %add3A_107 = arith.constant 2 : i32
      %add3A_108 = arith.addi %add3A_102, %add3A_107 : i32
      %mul3A_109 = arith.constant 256 : i32
      %mul3A_110 = arith.muli %add3A_108, %mul3A_109 : i32
      %dma_start3A_111 = tpu.memref_slice %arg7[%mul3A_110] : memref<13312xi32, #tpu.memory_space<vmem>> -> memref<256xi32, #tpu.memory_space<vmem>>
      %dma_start3A_112 = arith.constant 0 : i32
      %dma_start3A_113 = arith.constant 0 : i32
      %dma_start3A_114 = tpu.memref_slice %arg2[%dma_start3A_112, %dma_start3A_113] : memref<1000000x64xf32, #tpu.memory_space<hbm>> -> memref<1000000x64xf32, #tpu.memory_space<hbm>>
      tpu.enqueue_indirect_dma source(%dma_start3A_114 : memref<1000000x64xf32, #tpu.memory_space<hbm>>) target(%arg9 : memref<256x64xf32, #tpu.memory_space<vmem>>) offsets(%dma_start3A_111 : memref<256xi32, #tpu.memory_space<vmem>>) semaphore(%arg13 : memref<!tpu.dma_semaphore, #tpu.memory_space<semaphore_mem>>)
      %dma_wait3A_115 = arith.constant 0 : i32
      %dma_wait3A_116 = tpu.memref_slice %arg7[%dma_wait3A_115] : memref<13312xi32, #tpu.memory_space<vmem>> -> memref<256xi32, #tpu.memory_space<vmem>>
      %dma_wait3A_117 = arith.constant 0 : i32
      %dma_wait3A_118 = arith.constant 0 : i32
      %dma_wait3A_119 = tpu.memref_slice %arg2[%dma_wait3A_117, %dma_wait3A_118] : memref<1000000x64xf32, #tpu.memory_space<hbm>> -> memref<1000000x64xf32, #tpu.memory_space<hbm>>
      tpu.wait_indirect_dma semaphore(%arg15 : memref<!tpu.dma_semaphore, #tpu.memory_space<semaphore_mem>>) src(%dma_wait3A_119 : memref<1000000x64xf32, #tpu.memory_space<hbm>>) dst(%arg11 : memref<256x64xf32, #tpu.memory_space<vmem>>)
      %mul3A_120 = arith.constant 256 : i32
      %mul3A_121 = arith.muli %add3A_102, %mul3A_120 : i32
      %add3A_122 = arith.addi %mul3A_2, %mul3A_121 : i32
      %dma_start3A_123 = arith.constant 0 : i32
      %dma_start3A_124 = tpu.memref_slice %arg4[%add3A_122, %dma_start3A_123] : memref<425984x64xf32, #tpu.memory_space<hbm>> -> memref<256x64xf32, #tpu.memory_space<hbm>>
      %dma_start3A_125 = arith.constant 0 : i32
      %dma_start3A_126 = tpu.memref_slice %arg4[%add3A_122, %dma_start3A_125] : memref<425984x64xf32, #tpu.memory_space<hbm>> -> memref<256x64xf32, #tpu.memory_space<hbm>>
      tpu.enqueue_dma source(%arg11 : memref<256x64xf32, #tpu.memory_space<vmem>>) target(%dma_start3A_126 : memref<256x64xf32, #tpu.memory_space<hbm>>) target_semaphore(%arg19 : memref<!tpu.dma_semaphore, #tpu.memory_space<semaphore_mem>>)
      %mul3A_127 = arith.constant 4 : i32
      %mul3A_128 = arith.muli %scan3A_96, %mul3A_127 : i32
      %add3A_129 = arith.constant 2 : i32
      %add3A_130 = arith.addi %add3A_129, %mul3A_128 : i32
      %add3A_131 = arith.constant 1 : i32
      %add3A_132 = arith.addi %add3A_130, %add3A_131 : i32
      %dma_wait3A_133 = arith.constant 0 : i32
      %dma_wait3A_134 = tpu.memref_slice %arg4[%mul3A_2, %dma_wait3A_133] : memref<425984x64xf32, #tpu.memory_space<hbm>> -> memref<256x64xf32, #tpu.memory_space<hbm>>
      %dma_wait3A_135 = arith.constant 0 : i32
      %dma_wait3A_136 = tpu.memref_slice %arg4[%mul3A_2, %dma_wait3A_135] : memref<425984x64xf32, #tpu.memory_space<hbm>> -> memref<256x64xf32, #tpu.memory_space<hbm>>
      tpu.wait_dma2 semaphore(%arg18 : memref<!tpu.dma_semaphore, #tpu.memory_space<semaphore_mem>>) src(%arg10 : memref<256x64xf32, #tpu.memory_space<vmem>>) dst(%dma_wait3A_136 : memref<256x64xf32, #tpu.memory_space<hbm>>)
      %add3A_137 = arith.constant 2 : i32
      %add3A_138 = arith.addi %add3A_132, %add3A_137 : i32
      %mul3A_139 = arith.constant 256 : i32
      %mul3A_140 = arith.muli %add3A_138, %mul3A_139 : i32
      %dma_start3A_141 = tpu.memref_slice %arg7[%mul3A_140] : memref<13312xi32, #tpu.memory_space<vmem>> -> memref<256xi32, #tpu.memory_space<vmem>>
      %dma_start3A_142 = arith.constant 0 : i32
      %dma_start3A_143 = arith.constant 0 : i32
      %dma_start3A_144 = tpu.memref_slice %arg2[%dma_start3A_142, %dma_start3A_143] : memref<1000000x64xf32, #tpu.memory_space<hbm>> -> memref<1000000x64xf32, #tpu.memory_space<hbm>>
      tpu.enqueue_indirect_dma source(%dma_start3A_144 : memref<1000000x64xf32, #tpu.memory_space<hbm>>) target(%arg10 : memref<256x64xf32, #tpu.memory_space<vmem>>) offsets(%dma_start3A_141 : memref<256xi32, #tpu.memory_space<vmem>>) semaphore(%arg14 : memref<!tpu.dma_semaphore, #tpu.memory_space<semaphore_mem>>)
      %dma_wait3A_145 = arith.constant 0 : i32
      %dma_wait3A_146 = tpu.memref_slice %arg7[%dma_wait3A_145] : memref<13312xi32, #tpu.memory_space<vmem>> -> memref<256xi32, #tpu.memory_space<vmem>>
      %dma_wait3A_147 = arith.constant 0 : i32
      %dma_wait3A_148 = arith.constant 0 : i32
      %dma_wait3A_149 = tpu.memref_slice %arg2[%dma_wait3A_147, %dma_wait3A_148] : memref<1000000x64xf32, #tpu.memory_space<hbm>> -> memref<1000000x64xf32, #tpu.memory_space<hbm>>
      tpu.wait_indirect_dma semaphore(%arg16 : memref<!tpu.dma_semaphore, #tpu.memory_space<semaphore_mem>>) src(%dma_wait3A_149 : memref<1000000x64xf32, #tpu.memory_space<hbm>>) dst(%arg12 : memref<256x64xf32, #tpu.memory_space<vmem>>)
      %mul3A_150 = arith.constant 256 : i32
      %mul3A_151 = arith.muli %add3A_132, %mul3A_150 : i32
      %add3A_152 = arith.addi %mul3A_2, %mul3A_151 : i32
      %dma_start3A_153 = arith.constant 0 : i32
      %dma_start3A_154 = tpu.memref_slice %arg4[%add3A_152, %dma_start3A_153] : memref<425984x64xf32, #tpu.memory_space<hbm>> -> memref<256x64xf32, #tpu.memory_space<hbm>>
      %dma_start3A_155 = arith.constant 0 : i32
      %dma_start3A_156 = tpu.memref_slice %arg4[%add3A_152, %dma_start3A_155] : memref<425984x64xf32, #tpu.memory_space<hbm>> -> memref<256x64xf32, #tpu.memory_space<hbm>>
      tpu.enqueue_dma source(%arg12 : memref<256x64xf32, #tpu.memory_space<vmem>>) target(%dma_start3A_156 : memref<256x64xf32, #tpu.memory_space<hbm>>) target_semaphore(%arg20 : memref<!tpu.dma_semaphore, #tpu.memory_space<semaphore_mem>>)
      %mul3A_157 = arith.constant 4 : i32
      %mul3A_158 = arith.muli %scan3A_96, %mul3A_157 : i32
      %add3A_159 = arith.constant 2 : i32
      %add3A_160 = arith.addi %add3A_159, %mul3A_158 : i32
      %add3A_161 = arith.constant 2 : i32
      %add3A_162 = arith.addi %add3A_160, %add3A_161 : i32
      %dma_wait3A_163 = arith.constant 0 : i32
      %dma_wait3A_164 = tpu.memref_slice %arg4[%mul3A_2, %dma_wait3A_163] : memref<425984x64xf32, #tpu.memory_space<hbm>> -> memref<256x64xf32, #tpu.memory_space<hbm>>
      %dma_wait3A_165 = arith.constant 0 : i32
      %dma_wait3A_166 = tpu.memref_slice %arg4[%mul3A_2, %dma_wait3A_165] : memref<425984x64xf32, #tpu.memory_space<hbm>> -> memref<256x64xf32, #tpu.memory_space<hbm>>
      tpu.wait_dma2 semaphore(%arg19 : memref<!tpu.dma_semaphore, #tpu.memory_space<semaphore_mem>>) src(%arg11 : memref<256x64xf32, #tpu.memory_space<vmem>>) dst(%dma_wait3A_166 : memref<256x64xf32, #tpu.memory_space<hbm>>)
      %add3A_167 = arith.constant 2 : i32
      %add3A_168 = arith.addi %add3A_162, %add3A_167 : i32
      %mul3A_169 = arith.constant 256 : i32
      %mul3A_170 = arith.muli %add3A_168, %mul3A_169 : i32
      %dma_start3A_171 = tpu.memref_slice %arg7[%mul3A_170] : memref<13312xi32, #tpu.memory_space<vmem>> -> memref<256xi32, #tpu.memory_space<vmem>>
      %dma_start3A_172 = arith.constant 0 : i32
      %dma_start3A_173 = arith.constant 0 : i32
      %dma_start3A_174 = tpu.memref_slice %arg2[%dma_start3A_172, %dma_start3A_173] : memref<1000000x64xf32, #tpu.memory_space<hbm>> -> memref<1000000x64xf32, #tpu.memory_space<hbm>>
      tpu.enqueue_indirect_dma source(%dma_start3A_174 : memref<1000000x64xf32, #tpu.memory_space<hbm>>) target(%arg11 : memref<256x64xf32, #tpu.memory_space<vmem>>) offsets(%dma_start3A_171 : memref<256xi32, #tpu.memory_space<vmem>>) semaphore(%arg15 : memref<!tpu.dma_semaphore, #tpu.memory_space<semaphore_mem>>)
      %dma_wait3A_175 = arith.constant 0 : i32
      %dma_wait3A_176 = tpu.memref_slice %arg7[%dma_wait3A_175] : memref<13312xi32, #tpu.memory_space<vmem>> -> memref<256xi32, #tpu.memory_space<vmem>>
      %dma_wait3A_177 = arith.constant 0 : i32
      %dma_wait3A_178 = arith.constant 0 : i32
      %dma_wait3A_179 = tpu.memref_slice %arg2[%dma_wait3A_177, %dma_wait3A_178] : memref<1000000x64xf32, #tpu.memory_space<hbm>> -> memref<1000000x64xf32, #tpu.memory_space<hbm>>
      tpu.wait_indirect_dma semaphore(%arg13 : memref<!tpu.dma_semaphore, #tpu.memory_space<semaphore_mem>>) src(%dma_wait3A_179 : memref<1000000x64xf32, #tpu.memory_space<hbm>>) dst(%arg9 : memref<256x64xf32, #tpu.memory_space<vmem>>)
      %mul3A_180 = arith.constant 256 : i32
      %mul3A_181 = arith.muli %add3A_162, %mul3A_180 : i32
      %add3A_182 = arith.addi %mul3A_2, %mul3A_181 : i32
      %dma_start3A_183 = arith.constant 0 : i32
      %dma_start3A_184 = tpu.memref_slice %arg4[%add3A_182, %dma_start3A_183] : memref<425984x64xf32, #tpu.memory_space<hbm>> -> memref<256x64xf32, #tpu.memory_space<hbm>>
      %dma_start3A_185 = arith.constant 0 : i32
      %dma_start3A_186 = tpu.memref_slice %arg4[%add3A_182, %dma_start3A_185] : memref<425984x64xf32, #tpu.memory_space<hbm>> -> memref<256x64xf32, #tpu.memory_space<hbm>>
      tpu.enqueue_dma source(%arg9 : memref<256x64xf32, #tpu.memory_space<vmem>>) target(%dma_start3A_186 : memref<256x64xf32, #tpu.memory_space<hbm>>) target_semaphore(%arg17 : memref<!tpu.dma_semaphore, #tpu.memory_space<semaphore_mem>>)
      %mul3A_187 = arith.constant 4 : i32
      %mul3A_188 = arith.muli %scan3A_96, %mul3A_187 : i32
      %add3A_189 = arith.constant 2 : i32
      %add3A_190 = arith.addi %add3A_189, %mul3A_188 : i32
      %add3A_191 = arith.constant 3 : i32
      %add3A_192 = arith.addi %add3A_190, %add3A_191 : i32
      %dma_wait3A_193 = arith.constant 0 : i32
      %dma_wait3A_194 = tpu.memref_slice %arg4[%mul3A_2, %dma_wait3A_193] : memref<425984x64xf32, #tpu.memory_space<hbm>> -> memref<256x64xf32, #tpu.memory_space<hbm>>
      %dma_wait3A_195 = arith.constant 0 : i32
      %dma_wait3A_196 = tpu.memref_slice %arg4[%mul3A_2, %dma_wait3A_195] : memref<425984x64xf32, #tpu.memory_space<hbm>> -> memref<256x64xf32, #tpu.memory_space<hbm>>
      tpu.wait_dma2 semaphore(%arg20 : memref<!tpu.dma_semaphore, #tpu.memory_space<semaphore_mem>>) src(%arg12 : memref<256x64xf32, #tpu.memory_space<vmem>>) dst(%dma_wait3A_196 : memref<256x64xf32, #tpu.memory_space<hbm>>)
      %add3A_197 = arith.constant 2 : i32
      %add3A_198 = arith.addi %add3A_192, %add3A_197 : i32
      %mul3A_199 = arith.constant 256 : i32
      %mul3A_200 = arith.muli %add3A_198, %mul3A_199 : i32
      %dma_start3A_201 = tpu.memref_slice %arg7[%mul3A_200] : memref<13312xi32, #tpu.memory_space<vmem>> -> memref<256xi32, #tpu.memory_space<vmem>>
      %dma_start3A_202 = arith.constant 0 : i32
      %dma_start3A_203 = arith.constant 0 : i32
      %dma_start3A_204 = tpu.memref_slice %arg2[%dma_start3A_202, %dma_start3A_203] : memref<1000000x64xf32, #tpu.memory_space<hbm>> -> memref<1000000x64xf32, #tpu.memory_space<hbm>>
      tpu.enqueue_indirect_dma source(%dma_start3A_204 : memref<1000000x64xf32, #tpu.memory_space<hbm>>) target(%arg12 : memref<256x64xf32, #tpu.memory_space<vmem>>) offsets(%dma_start3A_201 : memref<256xi32, #tpu.memory_space<vmem>>) semaphore(%arg16 : memref<!tpu.dma_semaphore, #tpu.memory_space<semaphore_mem>>)
      %dma_wait3A_205 = arith.constant 0 : i32
      %dma_wait3A_206 = tpu.memref_slice %arg7[%dma_wait3A_205] : memref<13312xi32, #tpu.memory_space<vmem>> -> memref<256xi32, #tpu.memory_space<vmem>>
      %dma_wait3A_207 = arith.constant 0 : i32
      %dma_wait3A_208 = arith.constant 0 : i32
      %dma_wait3A_209 = tpu.memref_slice %arg2[%dma_wait3A_207, %dma_wait3A_208] : memref<1000000x64xf32, #tpu.memory_space<hbm>> -> memref<1000000x64xf32, #tpu.memory_space<hbm>>
      tpu.wait_indirect_dma semaphore(%arg14 : memref<!tpu.dma_semaphore, #tpu.memory_space<semaphore_mem>>) src(%dma_wait3A_209 : memref<1000000x64xf32, #tpu.memory_space<hbm>>) dst(%arg10 : memref<256x64xf32, #tpu.memory_space<vmem>>)
      %mul3A_210 = arith.constant 256 : i32
      %mul3A_211 = arith.muli %add3A_192, %mul3A_210 : i32
      %add3A_212 = arith.addi %mul3A_2, %mul3A_211 : i32
      %dma_start3A_213 = arith.constant 0 : i32
      %dma_start3A_214 = tpu.memref_slice %arg4[%add3A_212, %dma_start3A_213] : memref<425984x64xf32, #tpu.memory_space<hbm>> -> memref<256x64xf32, #tpu.memory_space<hbm>>
      %dma_start3A_215 = arith.constant 0 : i32
      %dma_start3A_216 = tpu.memref_slice %arg4[%add3A_212, %dma_start3A_215] : memref<425984x64xf32, #tpu.memory_space<hbm>> -> memref<256x64xf32, #tpu.memory_space<hbm>>
      tpu.enqueue_dma source(%arg10 : memref<256x64xf32, #tpu.memory_space<vmem>>) target(%dma_start3A_216 : memref<256x64xf32, #tpu.memory_space<hbm>>) target_semaphore(%arg18 : memref<!tpu.dma_semaphore, #tpu.memory_space<semaphore_mem>>)
    }
    %scan3A_55 = arith.constant 12 : i32
    %dma_wait3A_56 = arith.constant 0 : i32
    %dma_wait3A_57 = tpu.memref_slice %arg7[%dma_wait3A_56] : memref<13312xi32, #tpu.memory_space<vmem>> -> memref<256xi32, #tpu.memory_space<vmem>>
    %dma_wait3A_58 = arith.constant 0 : i32
    %dma_wait3A_59 = arith.constant 0 : i32
    %dma_wait3A_60 = tpu.memref_slice %arg2[%dma_wait3A_58, %dma_wait3A_59] : memref<1000000x64xf32, #tpu.memory_space<hbm>> -> memref<1000000x64xf32, #tpu.memory_space<hbm>>
    tpu.wait_indirect_dma semaphore(%arg15 : memref<!tpu.dma_semaphore, #tpu.memory_space<semaphore_mem>>) src(%dma_wait3A_60 : memref<1000000x64xf32, #tpu.memory_space<hbm>>) dst(%arg11 : memref<256x64xf32, #tpu.memory_space<vmem>>)
    %add3A_61 = arith.constant 12800 : i32
    %add3A_62 = arith.addi %mul3A_2, %add3A_61 : i32
    %dma_start3A_63 = arith.constant 0 : i32
    %dma_start3A_64 = tpu.memref_slice %arg4[%add3A_62, %dma_start3A_63] : memref<425984x64xf32, #tpu.memory_space<hbm>> -> memref<256x64xf32, #tpu.memory_space<hbm>>
    %dma_start3A_65 = arith.constant 0 : i32
    %dma_start3A_66 = tpu.memref_slice %arg4[%add3A_62, %dma_start3A_65] : memref<425984x64xf32, #tpu.memory_space<hbm>> -> memref<256x64xf32, #tpu.memory_space<hbm>>
    tpu.enqueue_dma source(%arg11 : memref<256x64xf32, #tpu.memory_space<vmem>>) target(%dma_start3A_66 : memref<256x64xf32, #tpu.memory_space<hbm>>) target_semaphore(%arg19 : memref<!tpu.dma_semaphore, #tpu.memory_space<semaphore_mem>>)
    %dma_wait3A_67 = arith.constant 0 : i32
    %dma_wait3A_68 = tpu.memref_slice %arg7[%dma_wait3A_67] : memref<13312xi32, #tpu.memory_space<vmem>> -> memref<256xi32, #tpu.memory_space<vmem>>
    %dma_wait3A_69 = arith.constant 0 : i32
    %dma_wait3A_70 = arith.constant 0 : i32
    %dma_wait3A_71 = tpu.memref_slice %arg2[%dma_wait3A_69, %dma_wait3A_70] : memref<1000000x64xf32, #tpu.memory_space<hbm>> -> memref<1000000x64xf32, #tpu.memory_space<hbm>>
    tpu.wait_indirect_dma semaphore(%arg16 : memref<!tpu.dma_semaphore, #tpu.memory_space<semaphore_mem>>) src(%dma_wait3A_71 : memref<1000000x64xf32, #tpu.memory_space<hbm>>) dst(%arg12 : memref<256x64xf32, #tpu.memory_space<vmem>>)
    %add3A_72 = arith.constant 13056 : i32
    %add3A_73 = arith.addi %mul3A_2, %add3A_72 : i32
    %dma_start3A_74 = arith.constant 0 : i32
    %dma_start3A_75 = tpu.memref_slice %arg4[%add3A_73, %dma_start3A_74] : memref<425984x64xf32, #tpu.memory_space<hbm>> -> memref<256x64xf32, #tpu.memory_space<hbm>>
    %dma_start3A_76 = arith.constant 0 : i32
    %dma_start3A_77 = tpu.memref_slice %arg4[%add3A_73, %dma_start3A_76] : memref<425984x64xf32, #tpu.memory_space<hbm>> -> memref<256x64xf32, #tpu.memory_space<hbm>>
    tpu.enqueue_dma source(%arg12 : memref<256x64xf32, #tpu.memory_space<vmem>>) target(%dma_start3A_77 : memref<256x64xf32, #tpu.memory_space<hbm>>) target_semaphore(%arg20 : memref<!tpu.dma_semaphore, #tpu.memory_space<semaphore_mem>>)
    %dma_wait3A_78 = arith.constant 0 : i32
    %dma_wait3A_79 = tpu.memref_slice %arg4[%mul3A_2, %dma_wait3A_78] : memref<425984x64xf32, #tpu.memory_space<hbm>> -> memref<256x64xf32, #tpu.memory_space<hbm>>
    %dma_wait3A_80 = arith.constant 0 : i32
    %dma_wait3A_81 = tpu.memref_slice %arg4[%mul3A_2, %dma_wait3A_80] : memref<425984x64xf32, #tpu.memory_space<hbm>> -> memref<256x64xf32, #tpu.memory_space<hbm>>
    tpu.wait_dma2 semaphore(%arg17 : memref<!tpu.dma_semaphore, #tpu.memory_space<semaphore_mem>>) src(%arg9 : memref<256x64xf32, #tpu.memory_space<vmem>>) dst(%dma_wait3A_81 : memref<256x64xf32, #tpu.memory_space<hbm>>)
    %dma_wait3A_82 = arith.constant 0 : i32
    %dma_wait3A_83 = tpu.memref_slice %arg4[%mul3A_2, %dma_wait3A_82] : memref<425984x64xf32, #tpu.memory_space<hbm>> -> memref<256x64xf32, #tpu.memory_space<hbm>>
    %dma_wait3A_84 = arith.constant 0 : i32
    %dma_wait3A_85 = tpu.memref_slice %arg4[%mul3A_2, %dma_wait3A_84] : memref<425984x64xf32, #tpu.memory_space<hbm>> -> memref<256x64xf32, #tpu.memory_space<hbm>>
    tpu.wait_dma2 semaphore(%arg18 : memref<!tpu.dma_semaphore, #tpu.memory_space<semaphore_mem>>) src(%arg10 : memref<256x64xf32, #tpu.memory_space<vmem>>) dst(%dma_wait3A_85 : memref<256x64xf32, #tpu.memory_space<hbm>>)
    %dma_wait3A_86 = arith.constant 0 : i32
    %dma_wait3A_87 = tpu.memref_slice %arg4[%mul3A_2, %dma_wait3A_86] : memref<425984x64xf32, #tpu.memory_space<hbm>> -> memref<256x64xf32, #tpu.memory_space<hbm>>
    %dma_wait3A_88 = arith.constant 0 : i32
    %dma_wait3A_89 = tpu.memref_slice %arg4[%mul3A_2, %dma_wait3A_88] : memref<425984x64xf32, #tpu.memory_space<hbm>> -> memref<256x64xf32, #tpu.memory_space<hbm>>
    tpu.wait_dma2 semaphore(%arg19 : memref<!tpu.dma_semaphore, #tpu.memory_space<semaphore_mem>>) src(%arg11 : memref<256x64xf32, #tpu.memory_space<vmem>>) dst(%dma_wait3A_89 : memref<256x64xf32, #tpu.memory_space<hbm>>)
    %dma_wait3A_90 = arith.constant 0 : i32
    %dma_wait3A_91 = tpu.memref_slice %arg4[%mul3A_2, %dma_wait3A_90] : memref<425984x64xf32, #tpu.memory_space<hbm>> -> memref<256x64xf32, #tpu.memory_space<hbm>>
    %dma_wait3A_92 = arith.constant 0 : i32
    %dma_wait3A_93 = tpu.memref_slice %arg4[%mul3A_2, %dma_wait3A_92] : memref<425984x64xf32, #tpu.memory_space<hbm>> -> memref<256x64xf32, #tpu.memory_space<hbm>>
    tpu.wait_dma2 semaphore(%arg20 : memref<!tpu.dma_semaphore, #tpu.memory_space<semaphore_mem>>) src(%arg12 : memref<256x64xf32, #tpu.memory_space<vmem>>) dst(%dma_wait3A_93 : memref<256x64xf32, #tpu.memory_space<hbm>>)
    %dma_wait3A_94 = tpu.memref_slice %arg5[%mul3A_2] : memref<425984xf32, #tpu.memory_space<hbm>> -> memref<13312xf32, #tpu.memory_space<hbm>>
    %dma_wait3A_95 = tpu.memref_slice %arg5[%mul3A_2] : memref<425984xf32, #tpu.memory_space<hbm>> -> memref<13312xf32, #tpu.memory_space<hbm>>
    tpu.wait_dma2 semaphore(%arg21 : memref<!tpu.dma_semaphore, #tpu.memory_space<semaphore_mem>>) src(%arg8 : memref<13312xf32, #tpu.memory_space<vmem>>) dst(%dma_wait3A_95 : memref<13312xf32, #tpu.memory_space<hbm>>)
    return
  }
}

</mosaic_0001>

<sc_bundles>
// kernel: kernel.3.cloned.1.call-start
scs
__scs_entry_jumppad:
0x0: {  	(pc) =	sbr.rel $0x88, $3  }
0x1: {  	(tag) =	ssettag $0x0;
	lr =	simm.s32 $0x1  }
0x2: {  	[smem:$0x3F9F] =	sst lr;
	_ =	strace $0xD0000000  }
0x3: {  	_ = 	snop  }
0x4: {  	_ = 	snop  }
0x5: {  	_ = 	snop  }
0x6: {  	_ = 	snop  }
0x7: {  	_ = 	snop  }
__scs_overlays_trampoline_lowered:
0x8: {  	[smem:$0x3FAE] =	sst s0  }
0x9: {  	[smem:$0x3FAF] =	sst s1  }
0xa: {  	[smem:$0x3FB0] =	sst s2  }
0xb: {  	[smem:$0x3FB1] =	sst s3  }
0xc: {  	[smem:$0x3FB2] =	sst s4  }
0xd: {  	[smem:$0x3FB3] =	sst s5  }
0xe: {  	[smem:$0x3FB4] =	sst s6  }
0xf: {  	[smem:$0x3FB5] =	sst s7  }
0x10: {  	[smem:$0x3FB6] =	sst s8  }
0x11: {  	[smem:$0x3FB7] =	sst s9;
	s0 =	simm.s32 @!p0 $0x0  }
0x12: {  	s1 =	sld [smem:$0x3F9D];
	s0 =	simm.s32 @p0 $0x1  }
0x13: {  	[smem:$0x3FB8] =	sst s0;
	s0 =	simm.s32 @!p1 $0x0  }
0x14: {  	s2 =	sld [smem:$0x3F9C];
	s0 =	simm.s32 @p1 $0x1  }
0x15: {  	[smem:$0x3FB9] =	sst s0;
	s0 =	simm.s32 @!p2 $0x0  }
0x16: {  	s3 =	sld [smem:$0x3FDB];
	s0 =	simm.s32 @p2 $0x1  }
0x17: {  	s4 =	simm.s32 $0x1BF5;
	[smem:$0x3FBB] =	sst s0  }
0x18: {  	s0 =	sld [smem:$0x3F9E];
	_ =	swait.ge [sflag:s4], $0x0  }
0x19: {  	s7 =	sld [smem:$0x3F9F]  }
0x1a: {  	s8 =	sadd.s32 $0xFFFFE003, lr  }
0x1b: {  	s9 =	sadd.s32 $0xFFFFFEF7, lr;
	s5 =	simm.s32 $0xFFFFFFFF;
	p2 =	slt.u32 s8, $0xFFFFF086  }
0x1c: {  	p1 =	slt.u32 s9, $0xF7A;
	s5 =	simm.s32 @!p2 $0x0  }
0x1d: {  	s5 =	simm.s32 @p1 $0x1;
	p0 =	seq.s32 s7, s2  }
0x1e: {  	s7 =	smul.u32 @!p0 $0xF7A, s2;
	p2 =	seq.s32 @!p0 s5, $0x0  }
0x1f: {  	s9 =	smul.u32 $0xF7A, s1;
	s8 =	simm.s32 @!p0 $0x1BF5;
	p2 =	por !p2, p0  }
0x20: {  	[sflag:s8] =	ssyncset.s32 @!p0 $0xFFFFF086;
	s6 =	sadd.s32 @!p0 s3, s7;
	s7 =	simm.s32 @!p0 $0x108  }
0x21: {  	s3 =	sadd.s32 s3, s9;
	s6 =	sadd.s32 @!p0 $0x88, s6;
	s7 =	simm.s32 @p2 $0x1082  }
0x22: {  	[simem:s7], [sflag:s8] =	dma.local @!p0 [hbm:s6], $0xF7A  }
0x23: {  	s9 =	sor.u32 $0xD0000000, s2;
	s6 =	simm.s32 $0x108;
	_ =	swait.ge @!p0 [sflag:s8], $0x0  }
0x24: {  	s3 =	sadd.s32 $0x88, s3;
	s6 =	simm.s32 @!p1 $0x1082;
	[sflag:s4] =	ssyncset.s32 $0xFFFFF086  }
0x25: {  	[simem:s6], [sflag:s4] =	dma.local [hbm:s3], $0xF7A  }
0x26: {  	[smem:$0x3F9F] =	sst s1;
	(tag) =	ssettag s2;
	_ =	strace s9  }
0x27: {  	s1 =	sld [smem:$0x3FAF]  }
0x28: {  	s2 =	sld [smem:$0x3FB0]  }
0x29: {  	s4 =	sld [smem:$0x3FB2]  }
0x2a: {  	p0 =	seq.s32 s5, $0x0;
	s5 =	sld [smem:$0x3FB3]  }
0x2b: {  	s6 =	sld [smem:$0x3FB4]  }
0x2c: {  	s7 =	sld [smem:$0x3FB5]  }
0x2d: {  	s3 =	simm.s32 $0x108;
	s8 =	sld [smem:$0x3FB6]  }
0x2e: {  	s3 =	simm.s32 @!p0 $0x1082;
	s9 =	sld [smem:$0x3FB7]  }
0x2f: {  	lr =	sadd.s32 s0, s3;
	s0 =	sld [smem:$0x3FAE]  }
0x30: {  	s3 =	sld [smem:$0x3FB1]  }
0x31: {  	[smem:$0x3FBA] =	sst s10  }
0x32: {  	s10 =	sld [smem:$0x3FB8];
	_ =	sdelay $0x3  }
0x33: {  	p0 =	seq.s32 s10, $0x1;
	s10 =	sld [smem:$0x3FBA];
	_ =	sdelay $0x3  }
0x34: {  	[smem:$0x3FBA] =	sst s10  }
0x35: {  	s10 =	sld [smem:$0x3FB9];
	_ =	sdelay $0x3  }
0x36: {  	p1 =	seq.s32 s10, $0x1;
	s10 =	sld [smem:$0x3FBA];
	_ =	sdelay $0x3  }
0x37: {  	[smem:$0x3FBA] =	sst s10  }
0x38: {  	s10 =	sld [smem:$0x3FBB]  }
0x39: {  	_ = 	snop;
	(pc) =	sbr.ind lr, $3  }
0x3a: {  	_ = 	snop  }
0x3b: {  	_ = 	snop  }
0x3c: {  	p2 =	seq.s32 s10, $0x1;
	s10 =	sld [smem:$0x3FBA]  }
0x3d: {  	_ =	shalt  }
0x3e: {  	_ =	shalt  }
0x3f: {  	_ =	shalt  }
0x40: {  	_ =	shalt  }
0x41: {  	_ =	shalt  }
0x42: {  	_ =	shalt  }
0x43: {  	_ =	shalt  }
0x44: {  	_ =	shalt  }
0x45: {  	_ =	shalt  }
0x46: {  	_ =	shalt  }
0x47: {  	_ =	shalt  }
0x48: {  	_ =	shalt  }
0x49: {  	_ =	shalt  }
0x4a: {  	_ =	shalt  }
0x4b: {  	_ =	shalt  }
0x4c: {  	_ =	shalt  }
0x4d: {  	_ =	shalt  }
0x4e: {  	_ =	shalt  }
0x4f: {  	_ =	shalt  }
0x50: {  	_ =	shalt  }
0x51: {  	_ =	shalt  }
0x52: {  	_ =	shalt  }
0x53: {  	_ =	shalt  }
0x54: {  	_ =	shalt  }
0x55: {  	_ =	shalt  }
0x56: {  	_ =	shalt  }
0x57: {  	_ =	shalt  }
0x58: {  	_ =	shalt  }
0x59: {  	_ =	shalt  }
0x5a: {  	_ =	shalt  }
0x5b: {  	_ =	shalt  }
0x5c: {  	_ =	shalt  }
0x5d: {  	_ =	shalt  }
0x5e: {  	_ =	shalt  }
0x5f: {  	_ =	shalt  }
0x60: {  	_ =	shalt  }
0x61: {  	_ =	shalt  }
0x62: {  	_ =	shalt  }
0x63: {  	_ =	shalt  }
0x64: {  	_ =	shalt  }
0x65: {  	_ =	shalt  }
0x66: {  	_ =	shalt  }
0x67: {  	_ =	shalt  }
0x68: {  	_ =	shalt  }
0x69: {  	_ =	shalt  }
0x6a: {  	_ =	shalt  }
0x6b: {  	_ =	shalt  }
0x6c: {  	_ =	shalt  }
0x6d: {  	_ =	shalt  }
0x6e: {  	_ =	shalt  }
0x6f: {  	_ =	shalt  }
0x70: {  	_ =	shalt  }
0x71: {  	_ =	shalt  }
0x72: {  	_ =	shalt  }
0x73: {  	_ =	shalt  }
0x74: {  	_ =	shalt  }
0x75: {  	_ =	shalt  }
0x76: {  	_ =	shalt  }
0x77: {  	_ =	shalt  }
0x78: {  	_ =	shalt  }
0x79: {  	_ =	shalt  }
0x7a: {  	_ =	shalt  }
0x7b: {  	_ =	shalt  }
0x7c: {  	_ =	shalt  }
0x7d: {  	_ =	shalt  }
0x7e: {  	_ =	shalt  }
0x7f: {  	_ =	shalt  }
0x80: {  	_ =	shalt  }
0x81: {  	_ =	shalt  }
0x82: {  	_ =	shalt  }
0x83: {  	_ =	shalt  }
0x84: {  	_ =	shalt  }
0x85: {  	_ =	shalt  }
0x86: {  	_ =	shalt  }
0x87: {  	_ =	shalt  }
.Lfunc_end0:
.L_simem_size_0:
called_computation.1_lowered:
.L_overlay_start_0:
0x88: {  	s2 =	sld [smem:$0x3FD9]  }
0x89: {  	s3 =	sld [smem:$0x3FFE];
	_ =	sdelay $0x1  }
0x8a: {  	s1 =	srdreg.scid  }
0x8b: {  	s0 =	sand.u32 $0x1, s1  }
0x8c: {  	s14 =	sshll.u32 s0, $0xA;
	s2 =	sadd.s32 s3, s2  }
0x8d: {  	s2 =	sadd.s32 s2, s14  }
0x8e: {  	[smem:$0x3FC6] =	sst s2  }
0x8f: {  	_ = 	snop  }
0x90: {  	s2 =	sld [smem:$0x3FD0];
	_ =	sdelay $0x2  }
0x91: {  	s15 =	simm.s32 $0xA;
	s4 =	simm.s32 $0x10  }
0x92: {  	[smem:s4], [sflag:s15] =	dma.local [hbm:s2], $0x1  }
0x93: {  	_ =	swait.eq [sflag:s15], $0x1  }
0x94: {  	[sflag:s15] =	ssyncset.done $0x0  }
0x95: {  	s16 =	sld [smem:$0x10];
	[sflag:s15] =	ssyncadd.s32 $0xFFFFFFFF  }
0x96: {  	s17 =	sld [smem:$0x11];
	(tm) =	ssettm $0x1  }
0x97: {  	s18 =	sld [smem:$0x3FFB];
	_ =	sdelay $0x3  }
0x98: {  	_ =	strace s18  }
0x99: {  	s4 =	sld [smem:$0x3FFC];
	_ =	sdelay $0x3  }
0x9a: {  	_ =	strace s4  }
0x9b: {  	s4 =	sld [smem:$0x3FFD];
	_ =	sdelay $0x3  }
0x9c: {  	_ =	strace s4  }
0x9d: {  	_ =	strace $0x8FFFFFFF  }
0x9e: {  	s19 =	sld [smem:$0x3FDB];
	_ =	sdelay $0x1  }
0x9f: {  	s5 =	simm.s32 $_scs_section_size  }
0xa0: {  	s6 =	simm.s32 $_size__tile_overlayer_lowered;
	s7 =	simm.s32 $_tile_overlayer_lowered  }
0xa1: {  	s22 =	simm.s32 $0x1BFF;
	s21 =	sshll.u32 s7, $0x1;
	s4 =	sadd.s32 s5, s19  }
0xa2: {  	s8 =	simm.s32 $0x0;
	s20 =	sshll.u32 s6, $0x1;
	s6 =	sadd.s32 s21, s4  }
0xa3: {  	[timem:s8], [sflag:s22] =	dma.local [hbm:s6], s20  }
0xa4: {  	_ =	swait.ge [sflag:s22], s20  }
0xa5: {  	s5 =	ssub.s32 $0x0, s20;
	[sflag:s22] =	ssyncset.done $0x0  }
0xa6: {  	[sflag:s22] =	ssyncadd.s32 s5;
	_ =	sdelay $0x1  }
0xa7: {  	s23 =	simm.s32 $0x1B8B  }
0xa8: {  	_ =	swait.ge [sflag:s23], $0x1  }
0xa9: {  	[sflag:s23] =	ssyncset.done $0x0  }
0xaa: {  	s25 =	simm.s32 $0x1B8E;
	s24 =	sld [smem:$0x3FFE];
	[sflag:s23] =	ssyncadd.s32 $0xFFFFFFFF  }
0xab: {  	s26 =	simm.s32 $execute0_lowered;
	[smem:$0x3FD2] =	sst s25  }
0xac: {  	s6 =	sshll.u32 s26, $0x1;
	_ =	strace $0x80000046;
	[dreg:$0x1] =	wrdreg $0xFFFFFFFF  }
0xad: {  	s28 =	simm.s32 $_size_execute0_lowered;
	s4 =	sadd.s32 s4, s6;
	[dreg:$0x0] =	wrdreg $0x0  }
0xae: {  	s6 =	sshll.u32 s28, $0x1;
	[dreg:$0x2] =	wrdreg s4  }
0xaf: {  	[dreg:$0x3] =	wrdreg s6  }
0xb0: {  	[dreg:$0x4] =	wrdreg $0xC0  }
0xb1: {  	_ =	task [dreg:s8], $0x5FFFF  }
0xb2: {  	[dreg:$0x1] =	wrdreg $0xFFFFFFFF  }
0xb3: {  	[dreg:$0x0] =	wrdreg $0x60  }
0xb4: {  	[dreg:$0x2] =	wrdreg s24  }
0xb5: {  	[dreg:$0x3] =	wrdreg s17  }
0xb6: {  	[dreg:$0x4] =	wrdreg s16  }
0xb7: {  	[dreg:$0x5] =	wrdreg $0x9  }
0xb8: {  	_ =	task.clear_ibuf [dreg:s8], $0x6FFFF;
	_ =	strace $0x90000046  }
0xb9: {  	s29 =	simm.s32 $0x9;
	_ =	strace $0x80000048  }
0xba: {  	_ =	swait.ge [sflag:s29], $0x1  }
0xbb: {  	[sflag:s29] =	ssyncadd.s32 $0xFFFFFFFF  }
0xbc: {  	_ =	strace $0x90000048  }
0xbd: {  	_ =	sfence  }
0xbe: {  	s30 =	sld [smem:$0x0];
	_ =	sdelay $0x2  }
0xbf: {  	s31 =	sshll.u32 s1, $0xD;
	s1 =	sshrl.u32 s1, $0x2  }
0xc0: {  	s3 =	sand.u32 $0x4000, s31;
	s1 =	sadd.s32 s1, s30  }
0xc1: {  	s0 =	sor.u32 s3, s0;
	s1 =	sshll.u32 s1, $0x11  }
0xc2: {  	s0 =	sor.u32 s1, s0  }
0xc3: {  	s0 =	sadd.s32 $0x8F2B, s0  }
0xc4: {  	[sflag:s0] =	ssyncadd.remote.s32 $0x1  }
0xc5: {  	_ =	sfence.sel $0xFFFF  }
0xc6: {  	[dreg:$0x0] =	wrdreg $0xFFFFFFFF;
	(pc) =	sbr.abs _section_cstart, $3  }
0xc7: {  	[dreg:$0x1] =	wrdreg $0xFFFFFFFF  }
0xc8: {  	_ =	task.clear_ibuf [dreg:s8], $0x2FFFF;
	_ =	strace $0x9FFFFFFF  }
0xc9: {  	(tm) =	ssettm $0x7FFFFFFF  }
tec
execute0_lowered:
.L_overlay_start_1:
0x0: {  	(tag) =	ssettag $0x1  }
0x1: {  	s0 =	rddreg [dreg:$0x0]  }
0x2: {  	s1 =	rddreg [dreg:$0x1]  }
0x3: {  	s4 =	rddreg [dreg:$0x2]  }
0x4: {  	s3 =	srdreg.scid;
	s10 =	stileid.u32;
	s2 =	simm.s32 $0x0  }
0x5: {  	s15 =	simm.s32 $0xA;
	s17 =	simm.s32 $0x100;
	s19 =	simm.s32 $0x9C00  }
0x6: {  	s28 =	simm.s32 $0x2;
	s29 =	simm.s32 $0x5;
	s30 =	simm.s32 $0x3  }
0x7: {  	s31 =	simm.s32 $0x6;
	s16 =	simm.s32 $0x8;
	s18 =	simm.s32 $0x9  }
0x8: {  	s5 =	sand.u32 $0x1, s3;
	s20 =	sshll.u32 s10, $0x1;
	s10 =	smul.u32 $0x6800, s10  }
0x9: {  	s6 =	sor.u32 s5, s20;
	s9 =	ssub.s32 $0x2, s5;
	s5 =	smul.u32 $0x3400, s5  }
0xa: {  	[smem:$0x7FF] =	sst s2;
	s3 =	sadd.s32 $0xF43400, s0;
	s7 =	smul.u32 $0x3400, s6  }
0xb: {  	_ =	strace $0x80000047;
	s8 =	smul.u32 $0xD0000, s6;
	s11 =	sshrl.u32 s9, $0x1  }
0xc: {  	s20 =	simm.s32 $0x0;
	s21 =	smul.u32 $0x1A000, s6;
	s11 =	ssub.s32 s9, s11  }
0xd: {  	s5 =	sadd.s32 s5, s10;
	s7 =	sshrl.u32 s7, $0x3;
	s22 =	sshrl.u32 s8, $0x3  }
0xe: {  	s6 =	sadd.s32 s4, s21;
	s23 =	sshll.u32 s5, $0x3;
	s26 =	smax.u32 s11, $0x1  }
0xf: {  	s21 =	simm.s32 $0xDC00;
	s1 =	sadd.s32 s1, s7;
	[dreg:$0x9] =	wrdreg s26  }
0x10: {  	s0 =	sadd.s32 s7, s0;
	s24 =	sadd.s32 $0x800, s6;
	[dreg:$0x4] =	wrdreg s1  }
0x11: {  	s26 =	simm.s32 $0x15C00;
	s0 =	sadd.s32 $0x1000, s0;
	[dreg:$0x6] =	wrdreg s24  }
0x12: {  	s1 =	sadd.s32 s4, s23;
	s23 =	simm.s32 $0x11C00;
	s24 =	simm.s32 $0x1  }
0x13: {  	[dreg:$0x5] =	wrdreg s0;
	s0 =	sadd.s32 s4, s22;
	s11 =	sadd.s32 $0x1800, s1  }
0x14: {  	s12 =	sadd.s32 $0x1000, s1;
	s8 =	sadd.s32 $0x2800, s1;
	s25 =	sadd.s32 $0x19000, s0  }
0x15: {  	s14 =	sadd.s32 $0x2000, s1;
	s0 =	sadd.s32 $0x19800, s0;
	[dreg:$0x7] =	wrdreg s25  }
0x16: {  	s1 =	simm.s32 $0x7;
	[dreg:$0x8] =	wrdreg s0;
	s0 =	simm.s32 $0x4  }
.LBB2_1:
0x17: {  	s4 =	rddreg [dreg:$0x4]  }
0x18: {  	[tilespmem:s2], [sflag:$0xA] =	stream.linear.gather [hbm4b:s4+s2], $0x3400, $0x38;
	[tilespmem:$0x19C00] =	vst v63  }
0x19: {  	_ =	swait.ge [sflag:s15], $0x3400  }
0x1a: {  	[sflag:s15] =	ssyncset.done $0x0  }
0x1b: {  	s4 =	simm.s32 $0x0;
	[sflag:s15] =	ssyncadd.s32 $0xFFFFCC00  }
0x1c: {  	v1 =	vld [tilespmem:s4+$0x0];
	_ =	sdelay $0x4  }
0x1d: {  	v0 =	vadd.f32 $8.388608000e+06, v1  }
0x1e: {  	s5 =	simm.s32 $0x10  }
0x1f: {  	v2 =	vadd.f32 $-8.388608000e+06, v0;
	v0 =	vld [tilespmem:s5+$0x0];
	_ =	sdelay $0x2  }
0x20: {  	v3 =	vtrunc.f32 v2;
	v2 =	vsub.f32 v1, v2  }
0x21: {  	s7 =	simm.s32 $0x80;
	v1 =	vcvt.f32.s32 v3  }
.LBB2_2:
0x22: {  	s13 =	sshra.s32 s7, $0x2;
	p0 =	sne.s32 s7, $0xCFC0;
	s7 =	sadd.s32 $0x40, s7;
	v3 =	vadd.f32 $8.388608000e+06, v0;
	[tilespmem:s4+$0x6800] =	vst v2;
	v2 =	vmov v0  }
.Ltmp0:
0x23: {  	v0 =	vld [tilespmem:s13+$0x0];
	[tilespmem:s4+$0x3400] =	vst v1;
	s4 =	smov.u32 s5;
	s5 =	smov.u32 s13;
	(pc) =	sbr.rel @p0 .LBB2_2-.Ltmp0, $3  }
0x24: {  	v1 =	vadd.f32 $-8.388608000e+06, v3;
	_ =	sdelay $0x1  }
0x25: {  	v2 =	vsub.f32 v2, v1;
	v1 =	vtrunc.f32 v1  }
0x26: {  	v1 =	vcvt.f32.s32 v1  }
0x27: {  	v3 =	vadd.f32 $8.388608000e+06, v0;
	_ =	sdelay $0x1  }
0x28: {  	v3 =	vadd.f32 $-8.388608000e+06, v3;
	_ =	sdelay $0x1  }
0x29: {  	[tilespmem:s4+$0x6800] =	vst v2;
	v61 =	vsub.f32 v0, v3;
	v62 =	vtrunc.f32 v3  }
0x2a: {  	[tilespmem:s4+$0x3400] =	vst v1;
	v63 =	vcvt.f32.s32 v62  }
0x2b: {  	[tilespmem:s5+$0x6800] =	vst v61  }
0x2c: {  	s10 =	rddreg [dreg:$0x5];
	s7 =	simm.s32 $0x6800;
	s4 =	simm.s32 $0x0;
	[tilespmem:s5+$0x3400] =	vst v63  }
0x2d: {  	[hbm4b:s10+s4] =	stream.linear.scatter [tilespmem:s7], [sflag:$0x9], $0x3400, $0x38;
	[tilespmem:$0x19C00] =	vst v63  }
0x2e: {  	s13 =	simm.s32 $0x3400  }
0x2f: {  	[tilespmem:s19], [sflag:$0x1] =	stream.indirect.gather [hbm4b:s3+s17], $0x40, s13, s17, $0xb8;
	[tilespmem:$0x19C00] =	vst v63  }
0x30: {  	s22 =	simm.s32 $0x3500  }
0x31: {  	[tilespmem:s21], [sflag:$0x2] =	stream.indirect.gather [hbm4b:s3+s17], $0x40, s22, s17, $0xb8;
	[tilespmem:$0x19C00] =	vst v63  }
0x32: {  	s25 =	simm.s32 $0x3600  }
0x33: {  	[tilespmem:s23], [sflag:$0x3] =	stream.indirect.gather [hbm4b:s3+s17], $0x40, s25, s17, $0xb8;
	[tilespmem:$0x19C00] =	vst v63  }
0x34: {  	_ =	swait.ge [sflag:s24], $0x4000  }
0x35: {  	[sflag:s24] =	ssyncset.done $0x0  }
0x36: {  	[sflag:s24] =	ssyncadd.s32 $0xFFFFC000  }
0x37: {  	[hbm4b:s6+s4] =	stream.linear.scatter [tilespmem:s19], [sflag:$0x5], $0x4000, $0x38;
	[tilespmem:$0x19C00] =	vst v63  }
0x38: {  	s7 =	simm.s32 $0x3700  }
0x39: {  	[tilespmem:s26], [sflag:$0x4] =	stream.indirect.gather [hbm4b:s3+s17], $0x40, s7, s17, $0xb8;
	[tilespmem:$0x19C00] =	vst v63  }
0x3a: {  	_ =	swait.ge [sflag:s28], $0x4000  }
0x3b: {  	[sflag:s28] =	ssyncset.done $0x0  }
0x3c: {  	s9 =	rddreg [dreg:$0x6];
	[sflag:s28] =	ssyncadd.s32 $0xFFFFC000  }
0x3d: {  	[hbm4b:s9+s4] =	stream.linear.scatter [tilespmem:s21], [sflag:$0x6], $0x4000, $0x38;
	[tilespmem:$0x19C00] =	vst v63  }
0x3e: {  	_ =	swait.ge [sflag:s29], $0x4000  }
0x3f: {  	[sflag:s29] =	ssyncset.done $0x0  }
0x40: {  	s10 =	simm.s32 $0x3800;
	[sflag:s29] =	ssyncadd.s32 $0xFFFFC000  }
0x41: {  	[tilespmem:s19], [sflag:$0x1] =	stream.indirect.gather [hbm4b:s3+s17], $0x40, s10, s17, $0xb8;
	[tilespmem:$0x19C00] =	vst v63  }
0x42: {  	_ =	swait.ge [sflag:s30], $0x4000  }
0x43: {  	[sflag:s30] =	ssyncset.done $0x0  }
0x44: {  	[sflag:s30] =	ssyncadd.s32 $0xFFFFC000  }
0x45: {  	[hbm4b:s12+s2] =	stream.linear.scatter [tilespmem:s23], [sflag:$0x7], $0x4000, $0x38;
	[tilespmem:$0x19C00] =	vst v63  }
0x46: {  	_ =	swait.ge [sflag:s31], $0x4000  }
0x47: {  	[sflag:s31] =	ssyncset.done $0x0  }
0x48: {  	s13 =	simm.s32 $0x3900;
	[sflag:s31] =	ssyncadd.s32 $0xFFFFC000  }
0x49: {  	[tilespmem:s21], [sflag:$0x2] =	stream.indirect.gather [hbm4b:s3+s17], $0x40, s13, s17, $0xb8;
	[tilespmem:$0x19C00] =	vst v63  }
0x4a: {  	_ =	swait.ge [sflag:s0], $0x4000  }
0x4b: {  	[sflag:s0] =	ssyncset.done $0x0  }
0x4c: {  	[sflag:s0] =	ssyncadd.s32 $0xFFFFC000  }
0x4d: {  	[hbm4b:s11+s2] =	stream.linear.scatter [tilespmem:s26], [sflag:$0x8], $0x4000, $0x38;
	[tilespmem:$0x19C00] =	vst v63  }
0x4e: {  	_ =	swait.ge [sflag:s1], $0x4000  }
0x4f: {  	[sflag:s1] =	ssyncset.done $0x0  }
0x50: {  	s22 =	simm.s32 $0x3A00;
	[sflag:s1] =	ssyncadd.s32 $0xFFFFC000  }
0x51: {  	[tilespmem:s23], [sflag:$0x3] =	stream.indirect.gather [hbm4b:s3+s17], $0x40, s22, s17, $0xb8;
	[tilespmem:$0x19C00] =	vst v63  }
0x52: {  	_ =	swait.ge [sflag:s24], $0x4000  }
0x53: {  	[sflag:s24] =	ssyncset.done $0x0  }
0x54: {  	[sflag:s24] =	ssyncadd.s32 $0xFFFFC000  }
0x55: {  	[hbm4b:s14+s2] =	stream.linear.scatter [tilespmem:s19], [sflag:$0x5], $0x4000, $0x38;
	[tilespmem:$0x19C00] =	vst v63  }
0x56: {  	_ =	swait.ge [sflag:s16], $0x4000  }
0x57: {  	[sflag:s16] =	ssyncset.done $0x0  }
0x58: {  	s25 =	simm.s32 $0x3B00;
	[sflag:s16] =	ssyncadd.s32 $0xFFFFC000  }
0x59: {  	[tilespmem:s26], [sflag:$0x4] =	stream.indirect.gather [hbm4b:s3+s17], $0x40, s25, s17, $0xb8;
	[tilespmem:$0x19C00] =	vst v63  }
0x5a: {  	s5 =	sadd.s32 $0x2000, s11;
	s7 =	sadd.s32 $0x2000, s12;
	_ =	swait.ge [sflag:s28], $0x4000  }
0x5b: {  	s4 =	sadd.s32 $0x2000, s14;
	s13 =	smov.u32 s8;
	[sflag:s28] =	ssyncset.done $0x0  }
0x5c: {  	s22 =	simm.s32 $0x1000;
	s25 =	sadd.s32 $0x2000, s8;
	[sflag:s28] =	ssyncadd.s32 $0xFFFFC000  }
.LBB2_4:
0x5d: {  	[hbm4b:s13+s2] =	stream.linear.scatter [tilespmem:s21], [sflag:$0x6], $0x4000, $0x38;
	[tilespmem:$0x19C00] =	vst v63  }
0x5e: {  	s9 =	smov.u32 s22;
	s13 =	smov.u32 s25  }
0x5f: {  	p0 =	sne.s32 s22, $0xB000;
	s22 =	sadd.s32 $0x1000, s22;
	_ =	swait.ge [sflag:s29], $0x4000  }
0x60: {  	s9 =	sshra.s32 s9, $0x2;
	[sflag:s29] =	ssyncset.done $0x0  }
0x61: {  	s10 =	sadd.s32 $0x3800, s9;
	[sflag:s29] =	ssyncadd.s32 $0xFFFFC000  }
0x62: {  	[tilespmem:s19], [sflag:$0x1] =	stream.indirect.gather [hbm4b:s3+s17], $0x40, s10, s17, $0xb8;
	[tilespmem:$0x19C00] =	vst v63  }
0x63: {  	_ =	swait.ge [sflag:s30], $0x4000  }
0x64: {  	[sflag:s30] =	ssyncset.done $0x0  }
0x65: {  	[sflag:s30] =	ssyncadd.s32 $0xFFFFC000  }
0x66: {  	[hbm4b:s7+s2] =	stream.linear.scatter [tilespmem:s23], [sflag:$0x7], $0x4000, $0x38;
	[tilespmem:$0x19C00] =	vst v63  }
0x67: {  	_ =	swait.ge [sflag:s31], $0x4000  }
0x68: {  	[sflag:s31] =	ssyncset.done $0x0  }
0x69: {  	s10 =	sadd.s32 $0x3900, s9;
	[sflag:s31] =	ssyncadd.s32 $0xFFFFC000  }
0x6a: {  	[tilespmem:s21], [sflag:$0x2] =	stream.indirect.gather [hbm4b:s3+s17], $0x40, s10, s17, $0xb8;
	[tilespmem:$0x19C00] =	vst v63  }
0x6b: {  	_ =	swait.ge [sflag:s0], $0x4000  }
0x6c: {  	[sflag:s0] =	ssyncset.done $0x0  }
0x6d: {  	[sflag:s0] =	ssyncadd.s32 $0xFFFFC000  }
0x6e: {  	[hbm4b:s5+s2] =	stream.linear.scatter [tilespmem:s26], [sflag:$0x8], $0x4000, $0x38;
	[tilespmem:$0x19C00] =	vst v63  }
0x6f: {  	_ =	swait.ge [sflag:s1], $0x4000  }
0x70: {  	[sflag:s1] =	ssyncset.done $0x0  }
0x71: {  	s10 =	sadd.s32 $0x3A00, s9;
	[sflag:s1] =	ssyncadd.s32 $0xFFFFC000  }
0x72: {  	[tilespmem:s23], [sflag:$0x3] =	stream.indirect.gather [hbm4b:s3+s17], $0x40, s10, s17, $0xb8;
	[tilespmem:$0x19C00] =	vst v63  }
0x73: {  	_ =	swait.ge [sflag:s24], $0x4000  }
0x74: {  	[sflag:s24] =	ssyncset.done $0x0  }
0x75: {  	[sflag:s24] =	ssyncadd.s32 $0xFFFFC000  }
0x76: {  	[hbm4b:s4+s2] =	stream.linear.scatter [tilespmem:s19], [sflag:$0x5], $0x4000, $0x38;
	[tilespmem:$0x19C00] =	vst v63  }
0x77: {  	_ =	swait.ge [sflag:s16], $0x4000  }
0x78: {  	[sflag:s16] =	ssyncset.done $0x0  }
.Ltmp1:
0x79: {  	s9 =	sadd.s32 $0x3B00, s9;
	[sflag:s16] =	ssyncadd.s32 $0xFFFFC000;
	(pc) =	sbr.rel @p0 .LBB2_4-.Ltmp1, $4  }
0x7a: {  	[tilespmem:s26], [sflag:$0x4] =	stream.indirect.gather [hbm4b:s3+s17], $0x40, s9, s17, $0xb8;
	[tilespmem:$0x19C00] =	vst v63  }
0x7b: {  	_ =	swait.ge [sflag:s28], $0x4000  }
0x7c: {  	s25 =	sadd.s32 $0x2000, s25;
	s4 =	sadd.s32 $0x2000, s4;
	[sflag:s28] =	ssyncset.done $0x0  }
0x7d: {  	s7 =	sadd.s32 $0x2000, s7;
	s5 =	sadd.s32 $0x2000, s5;
	[sflag:s28] =	ssyncadd.s32 $0xFFFFC000  }
0x7e: {  	[hbm4b:s13+s2] =	stream.linear.scatter [tilespmem:s21], [sflag:$0x6], $0x4000, $0x38;
	[tilespmem:$0x19C00] =	vst v63  }
0x7f: {  	_ =	swait.ge [sflag:s30], $0x4000  }
0x80: {  	[sflag:s30] =	ssyncset.done $0x0  }
0x81: {  	s4 =	rddreg [dreg:$0x7];
	[sflag:s30] =	ssyncadd.s32 $0xFFFFC000  }
0x82: {  	[hbm4b:s4+s2] =	stream.linear.scatter [tilespmem:s23], [sflag:$0x7], $0x4000, $0x38;
	[tilespmem:$0x19C00] =	vst v63  }
0x83: {  	_ =	swait.ge [sflag:s0], $0x4000  }
0x84: {  	[sflag:s0] =	ssyncset.done $0x0  }
0x85: {  	s22 =	rddreg [dreg:$0x8];
	[sflag:s0] =	ssyncadd.s32 $0xFFFFC000  }
0x86: {  	[hbm4b:s22+s2] =	stream.linear.scatter [tilespmem:s26], [sflag:$0x8], $0x4000, $0x38;
	[tilespmem:$0x19C00] =	vst v63  }
0x87: {  	_ =	swait.ge [sflag:s29], $0x4000  }
0x88: {  	[sflag:s29] =	ssyncset.done $0x0  }
0x89: {  	[sflag:s29] =	ssyncadd.s32 $0xFFFFC000  }
0x8a: {  	_ =	swait.ge [sflag:s31], $0x4000  }
0x8b: {  	[sflag:s31] =	ssyncset.done $0x0  }
0x8c: {  	[sflag:s31] =	ssyncadd.s32 $0xFFFFC000  }
0x8d: {  	_ =	swait.ge [sflag:s1], $0x4000  }
0x8e: {  	[sflag:s1] =	ssyncset.done $0x0  }
0x8f: {  	[sflag:s1] =	ssyncadd.s32 $0xFFFFC000  }
0x90: {  	_ =	swait.ge [sflag:s16], $0x4000  }
0x91: {  	[sflag:s16] =	ssyncset.done $0x0  }
0x92: {  	[sflag:s16] =	ssyncadd.s32 $0xFFFFC000  }
0x93: {  	_ =	swait.ge [sflag:s18], $0x3400  }
0x94: {  	s20 =	sadd.s32 $0x1, s20;
	s25 =	rddreg [dreg:$0x9]  }
0x95: {  	p0 =	sne.s32 s20, s25  }
.Ltmp2:
0x96: {  	_ = 	snop;
	(pc) =	sbr.rel @p0 .LBB2_1-.Ltmp2, $3  }
0x97: {  	_ =	sdelay $0x1  }
0x98: {  	[sflag:s18] =	ssyncset.done $0x0  }
0x99: {  	[sflag:s18] =	ssyncadd.s32 $0xFFFFCC00  }
0x9a: {  	_ =	sfence.sel $0x180000  }
0x9b: {  	[bflag:$0x0] =	sbarrier.arrive $0xFFFF  }
0x9c: {  	_ =	strace $0x90000047  }
0x9d: {  	s0 =	stileid.u32;
	[bflag:$0x2] =	sbarrier.arrive $0xFFFF  }
0x9e: {  	p0 =	sne.s32 s0, $0x0;
	s0 =	rddreg [dreg:$0x3]  }
0x9f: {  	s0 =	sadd.s32 @!p0 $0x100000, s0  }
0xa0: {  	[sflag:s0] =	ssyncadd.tile.s32 @!p0 $0x1;
	_ =	shalt  }
.Lfunc_end2:
_tile_overlayer_lowered:
.L_overlay_start_2:
0xa1: {  	(tag) =	ssettag $0x2  }
0xa2: {  	s0 =	rddreg [dreg:$0x0];
	s2 =	stileid.u32  }
0xa3: {  	s1 =	rddreg [dreg:$0x1];
	p0 =	sne.s32 s2, $0x0  }
0xa4: {  	s3 =	rddreg [dreg:$0x2];
	[bflag:$0x3] =	sbarrier.arrive $0xFFFF;
	s2 =	simm.s32 @!p0 $0x1C0A  }
0xa5: {  	[timem:s3], [sflag:s2] =	dma.local @!p0 [hbm:s0], s1  }
0xa6: {  	s0 =	simm.s32 @!p0 $0xA  }
0xa7: {  	_ =	swait.ge @!p0 [sflag:s0], s1  }
0xa8: {  	s1 =	ssub.s32 @!p0 $0x0, s1;
	[sflag:s0] =	ssyncset.done @!p0 $0x0  }
0xa9: {  	[sflag:s0] =	ssyncadd.s32 @!p0 s1  }
0xaa: {  	[bflag:$0x3] =	sbarrier.arrive $0xFFFF  }
0xab: {  	_ =	shalt  }

// kernel: sparse-core-data-format-call.cloned.1.call-start
scs
called_computation_lowered:
.L_overlay_start_0:
0x0: {  	s2 =	sld [smem:$0x3FD9]  }
0x1: {  	s3 =	sld [smem:$0x3FFE];
	_ =	sdelay $0x1  }
0x2: {  	s1 =	srdreg.scid  }
0x3: {  	s0 =	sand.u32 $0x1, s1  }
0x4: {  	s15 =	sshll.u32 s0, $0xA;
	s2 =	sadd.s32 s3, s2  }
0x5: {  	s2 =	sadd.s32 s2, s15  }
0x6: {  	[smem:$0x3FC6] =	sst s2  }
0x7: {  	_ = 	snop  }
0x8: {  	s2 =	sld [smem:$0x3FD0];
	_ =	sdelay $0x2  }
0x9: {  	s16 =	simm.s32 $0xA;
	s4 =	simm.s32 $0x10  }
0xa: {  	[smem:s4], [sflag:s16] =	dma.local [hbm:s2], $0x1  }
0xb: {  	_ =	swait.eq [sflag:s16], $0x1  }
0xc: {  	[sflag:s16] =	ssyncset.done $0x0  }
0xd: {  	[sflag:s16] =	ssyncadd.s32 $0xFFFFFFFF  }
0xe: {  	s17 =	sld [smem:$0x10];
	(tm) =	ssettm $0x1  }
0xf: {  	s18 =	sld [smem:$0x3FFB];
	_ =	sdelay $0x3  }
0x10: {  	_ =	strace s18  }
0x11: {  	s3 =	sld [smem:$0x3FFC];
	_ =	sdelay $0x3  }
0x12: {  	_ =	strace s3  }
0x13: {  	s3 =	sld [smem:$0x3FFD];
	_ =	sdelay $0x3  }
0x14: {  	_ =	strace s3  }
0x15: {  	_ =	strace $0x8FFFFFFF  }
0x16: {  	s19 =	sld [smem:$0x3FDB];
	_ =	sdelay $0x1  }
0x17: {  	s20 =	simm.s32 $_scs_section_size  }
0x18: {  	s5 =	simm.s32 $_size__tile_overlayer_lowered;
	s6 =	simm.s32 $_tile_overlayer_lowered  }
0x19: {  	s23 =	simm.s32 $0x1BFF;
	s22 =	sshll.u32 s6, $0x1;
	s3 =	sadd.s32 s20, s19  }
0x1a: {  	s7 =	simm.s32 $0x0;
	s21 =	sshll.u32 s5, $0x1;
	s5 =	sadd.s32 s22, s3  }
0x1b: {  	[timem:s7], [sflag:s23] =	dma.local [hbm:s5], s21  }
0x1c: {  	_ =	swait.ge [sflag:s23], s21  }
0x1d: {  	s4 =	ssub.s32 $0x0, s21;
	[sflag:s23] =	ssyncset.done $0x0  }
0x1e: {  	[sflag:s23] =	ssyncadd.s32 s4;
	_ =	sdelay $0x1  }
0x1f: {  	s24 =	simm.s32 $0x1B8B  }
0x20: {  	_ =	swait.ge [sflag:s24], $0x1  }
0x21: {  	[sflag:s24] =	ssyncset.done $0x0  }
0x22: {  	s26 =	simm.s32 $0x1B8E;
	s25 =	sld [smem:$0x3FFE];
	[sflag:s24] =	ssyncadd.s32 $0xFFFFFFFF  }
0x23: {  	s27 =	simm.s32 $execute0_lowered;
	[smem:$0x3FD2] =	sst s26  }
0x24: {  	s5 =	sshll.u32 s27, $0x1;
	_ =	strace $0x80000049;
	[dreg:$0x1] =	wrdreg $0xFFFFFFFF  }
0x25: {  	s28 =	simm.s32 $_size_execute0_lowered;
	s3 =	sadd.s32 s3, s5;
	[dreg:$0x0] =	wrdreg $0x0  }
0x26: {  	s5 =	sshll.u32 s28, $0x1;
	[dreg:$0x2] =	wrdreg s3  }
0x27: {  	[dreg:$0x3] =	wrdreg s5  }
0x28: {  	[dreg:$0x4] =	wrdreg $0xC0  }
0x29: {  	_ =	task [dreg:s7], $0x5FFFF  }
0x2a: {  	[dreg:$0x1] =	wrdreg $0xFFFFFFFF  }
0x2b: {  	[dreg:$0x0] =	wrdreg $0x60  }
0x2c: {  	[dreg:$0x2] =	wrdreg s25  }
0x2d: {  	[dreg:$0x3] =	wrdreg s17  }
0x2e: {  	[dreg:$0x4] =	wrdreg $0x9  }
0x2f: {  	_ =	task.clear_ibuf [dreg:s7], $0x5FFFF;
	_ =	strace $0x90000049  }
0x30: {  	s29 =	simm.s32 $0x9;
	_ =	strace $0x8000004B  }
0x31: {  	_ =	swait.ge [sflag:s29], $0x1  }
0x32: {  	[sflag:s29] =	ssyncadd.s32 $0xFFFFFFFF  }
0x33: {  	_ =	strace $0x9000004B  }
0x34: {  	_ =	sfence  }
0x35: {  	s30 =	sld [smem:$0x0];
	_ =	sdelay $0x2  }
0x36: {  	s31 =	sshll.u32 s1, $0xD;
	s1 =	sshrl.u32 s1, $0x2  }
0x37: {  	s3 =	sand.u32 $0x4000, s31;
	s1 =	sadd.s32 s1, s30  }
0x38: {  	s0 =	sor.u32 s3, s0;
	s1 =	sshll.u32 s1, $0x11  }
0x39: {  	s0 =	sor.u32 s1, s0  }
0x3a: {  	s0 =	sadd.s32 $0x8F2B, s0  }
0x3b: {  	[sflag:s0] =	ssyncadd.remote.s32 $0x1  }
0x3c: {  	_ =	sfence.sel $0xFFFF  }
0x3d: {  	[dreg:$0x0] =	wrdreg $0xFFFFFFFF;
	(pc) =	sbr.abs _section_cstart, $3  }
0x3e: {  	[dreg:$0x1] =	wrdreg $0xFFFFFFFF  }
0x3f: {  	_ =	task.clear_ibuf [dreg:s7], $0x2FFFF;
	_ =	strace $0x9FFFFFFF  }
0x40: {  	(tm) =	ssettm $0x7FFFFFFF  }
0x41: {  	_ =	shalt  }
tec
execute0_lowered:
.L_overlay_start_1:
0x0: {  	(tag) =	ssettag $0x1  }
0x1: {  	s0 =	srdreg.scid  }
0x2: {  	s1 =	sshll.u32 s0, $0x4  }
0x3: {  	s0 =	stileid.u32;
	s1 =	sand.u32 $0x10, s1  }
0x4: {  	s1 =	sor.u32 s0, s1  }
0x5: {  	s6 =	rddreg [dreg:$0x0];
	s4 =	simm.s32 $0x1;
	s2 =	sshll.u32 s1, $0x7  }
0x6: {  	s7 =	simm.s32 $0x2;
	s12 =	simm.s32 $0x0;
	s1 =	ssub.s32 $0x4000, s2  }
0x7: {  	s8 =	simm.s32 $0x20000;
	s13 =	simm.s32 $0x0;
	s3 =	sand.u32 $0xF80, s1  }
0x8: {  	s9 =	simm.s32 $0x0;
	s5 =	sshrl.u32 s1, $0xC;
	p0 =	sne.s32 s3, $0x0  }
.Ltmp0:
0x9: {  	s1 =	rddreg [dreg:$0x2];
	s4 =	simm.s32 @!p0 $0x0;
	(pc) =	sbr.rel .LBB1_1-.Ltmp0, $4  }
0xa: {  	s11 =	simm.s32 $0x0;
	s3 =	rddreg [dreg:$0x1];
	s5 =	sadd.s32 s4, s5  }
0xb: {  	_ =	strace $0x8000004A;
	s4 =	simm.s32 $0x1;
	s5 =	smul.u32 $0x1A, s5  }
0xc: {  	s6 =	sadd.s32 $0xE000, s6;
	s10 =	smov.u32 s2;
	[sflag:s4] =	ssyncpa.u1 $0x0  }
0xd: {  	p0 =	por $0x0, $0x0;
	[sflag:s7] =	ssyncpa.u1 $0x0;
	s7 =	sor.u32 $0x1, s5  }
.LBB1_4:
0xe: {  	s16 =	sshll.u32 s13, $0x3;
	s17 =	sand.u32 $0x78, s13  }
0xf: {  	s30 =	sand.u32 $0x1F800, s13;
	s12 =	sshll.u32 s12, $0x11;
	s16 =	sand.u32 $0x3C00, s16  }
0x10: {  	[tilespmem:s15+$0x810 ss:$0x81] =	vst.msk $0xffff, v2;
	s31 =	sand.u32 $0x7, s13;
	s16 =	sor.u32 s17, s16;
	s17 =	sadd.s32 s3, s30  }
0x11: {  	[tilespmem:s15+$0x1020 ss:$0x81] =	vst.msk $0xffff, v0;
	s13 =	sshll.u32 s31, $0x12;
	s12 =	sadd.s32 s12, s17;
	s16 =	sshrl.u32 s16, $0x3  }
0x12: {  	[tilespmem:s15+$0x0 ss:$0x81] =	vst.msk $0xffff, v1;
	s13 =	sor.u32 $0x400, s13;
	s12 =	sadd.s32 s16, s12  }
0x13: {  	[hbm4b:s12+s13] =	stream.strided.scatter [tilespmem:s14], [sflag:$0x2], $0x2000, s8, s13, $0x20;
	[tilespmem:$0x8080] =	vst v63  }
.LBB1_5:
0x14: {  	s14 =	sadd.s32 $0x1, s9  }
0x15: {  	s12 =	sadd.s32 $0x1000, s10;
	s16 =	smov.u32 s10;
	p2 =	sgt.s32 s14, $0x19  }
0x16: {  	s16 =	smov.u32 @p2 s12  }
0x17: {  	s14 =	simm.s32 @p2 $0x0;
	p2 =	sgt.s32 s16, $0x3FFF  }
0x18: {  	s16 =	smov.u32 @p2 s2;
	p2 =	sne.s32 s11, s7  }
.Ltmp1:
0x19: {  	p1 =	slt.u32 s11, $0x2;
	(pc) =	sbr.rel @!p2 .LBB1_6-.Ltmp1, $4  }
0x1a: {  	s15 =	simm.s32 @!p1 $0x2  }
0x1b: {  	s13 =	smov.u32 s10;
	p0 =	por !p0, !p0;
	_ =	swait.ge @!p1 [sflag:s15], $0x2000  }
0x1c: {  	s12 =	smov.u32 s9;
	[sflag:s15] =	ssyncset.done @!p1 $0x0;
	s9 =	smov.u32 s14  }
0x1d: {  	s11 =	sadd.s32 $0x1, s11;
	[sflag:s15] =	ssyncadd.s32 @!p1 $0xFFFFE000;
	s10 =	smov.u32 s16  }
.LBB1_1:
0x1e: {  	p1 =	sge.u32 s11, s5  }
0x1f: {  	s31 =	sadd.s32 $0xFFFFFFFF, s11;
	s14 =	sxor.u32 @!p1 $0xFFFFFFFF, s11  }
0x20: {  	s15 =	sshll.u32 @!p1 s10, $0x9;
	s16 =	sshll.u32 @!p1 s9, $0x4;
	s17 =	simm.s32 @!p1 $0x1000  }
0x21: {  	s14 =	sshll.u32 @!p1 s14, $0xD;
	s16 =	sand.u32 @!p1 $0x1F0, s16;
	s15 =	sadd.s32 @!p1 s6, s15  }
0x22: {  	s14 =	sand.u32 @!p1 $0x2000, s14;
	s15 =	sadd.s32 @!p1 s16, s15;
	s16 =	simm.s32 @!p1 $0x40  }
0x23: {  	[tilespmem:s14], [sflag:$0x1] =	stream.strided.gather @!p1 [hbm4b:s15+s16], $0x2000, s17, s16, $0x38;
	[tilespmem:$0x8080] =	vst v63  }
0x24: {  	p1 =	sge.u32 s31, s5  }
.Ltmp2:
0x25: {  	_ = 	snop;
	(pc) =	sbr.rel @p1 .LBB1_5-.Ltmp2, $1  }
0x26: {  	_ =	sdelay $0x3  }
0x27: {  	s14 =	simm.s32 $0x1  }
0x28: {  	_ =	swait.ge [sflag:s4], $0x2000;
	s14 =	simm.s32 @!p0 $0x0  }
0x29: {  	[sflag:s4] =	ssyncset.done $0x0;
	s15 =	sshll.u32 s14, $0xD  }
0x2a: {  	[sflag:s4] =	ssyncadd.s32 $0xFFFFE000;
	s18 =	sor.u32 $0x20, s15  }
0x2b: {  	s14 =	smul.u32 $0x8100, s14;
	v3 =	vld [tilespmem:s18+$0x10]  }
0x2c: {  	s30 =	sand.u32 $0x1, s11;
	v2 =	vld [tilespmem:s18+$0xFFFFFFF0]  }
0x2d: {  	s15 =	smul.u32 $0x8100, s30;
	s14 =	sshrl.u32 s14, $0x2;
	v0 =	vld [tilespmem:s18+$0x0]  }
0x2e: {  	v1 =	vld [tilespmem:s18+$0xFFFFFFE0];
	s16 =	sor.u32 $0x4000, s14  }
0x2f: {  	s31 =	sshrl.u32 s15, $0x2;
	s15 =	sadd.s32 $0x0, s16  }
0x30: {  	s17 =	simm.s32 $0x4;
	s18 =	sadd.s32 $0x40, s18;
	s14 =	sor.u32 $0x4000, s31;
	[tilespmem:s15+$0x1830 ss:$0x81] =	vst.msk $0xffff, v3  }
.LBB1_3:
0x31: {  	v3 =	vld [tilespmem:s18+$0x10];
	p1 =	sne.s32 s17, $0x1FC;
	[tilespmem:s15+$0x810 ss:$0x81] =	vst.msk $0xffff, v2;
	s19 =	smov.u32 s17;
	s17 =	sadd.s32 $0x4, s17  }
.Ltmp3:
0x32: {  	v2 =	vld [tilespmem:s18+$0xFFFFFFF0];
	[tilespmem:s15+$0x1020 ss:$0x81] =	vst.msk $0xffff, v0;
	(pc) =	sbr.rel @p1 .LBB1_3-.Ltmp3, $4  }
0x33: {  	v0 =	vld [tilespmem:s18+$0x0];
	[tilespmem:s15+$0x0 ss:$0x81] =	vst.msk $0xffff, v1  }
0x34: {  	s15 =	sshra.s32 s19, $0x2;
	v1 =	vld [tilespmem:s18+$0xFFFFFFE0]  }
0x35: {  	s15 =	sadd.s32 s15, s16  }
0x36: {  	s18 =	sadd.s32 $0x40, s18;
	[tilespmem:s15+$0x1830 ss:$0x81] =	vst.msk $0xffff, v3  }
.Ltmp4:
0x37: {  	_ = 	snop;
	(pc) =	sbr.rel .LBB1_4-.Ltmp4, $1  }
0x38: {  	_ =	sdelay $0x3  }
.LBB1_6:
0x39: {  	_ =	sfence.sel $0x180000  }
0x3a: {  	s2 =	simm.s32 $0x1;
	[bflag:$0x0] =	sbarrier.arrive $0xFFFF  }
0x3b: {  	s31 =	simm.s32 $0x2;
	[sflag:s2] =	ssyncpa.u1 $0x1  }
0x3c: {  	[sflag:s31] =	ssyncpa.u1 $0x1  }
0x3d: {  	p0 =	sne.s32 s0, $0x0;
	_ =	strace $0x9000004A  }
0x3e: {  	s0 =	sadd.s32 @!p0 $0x100000, s1;
	[bflag:$0x2] =	sbarrier.arrive $0xFFFF  }
0x3f: {  	[sflag:s0] =	ssyncadd.tile.s32 @!p0 $0x1;
	_ =	shalt  }
.Lfunc_end1:
_tile_overlayer_lowered:
.L_overlay_start_2:
0x40: {  	(tag) =	ssettag $0x2  }
0x41: {  	s0 =	rddreg [dreg:$0x0];
	s2 =	stileid.u32  }
0x42: {  	s1 =	rddreg [dreg:$0x1];
	p0 =	sne.s32 s2, $0x0  }
0x43: {  	s3 =	rddreg [dreg:$0x2];
	[bflag:$0x3] =	sbarrier.arrive $0xFFFF;
	s2 =	simm.s32 @!p0 $0x1C01  }
0x44: {  	[timem:s3], [sflag:s2] =	dma.local @!p0 [hbm:s0], s1  }
0x45: {  	s0 =	simm.s32 @!p0 $0x1  }
0x46: {  	_ =	swait.ge @!p0 [sflag:s0], s1  }
0x47: {  	s1 =	ssub.s32 @!p0 $0x0, s1;
	[sflag:s0] =	ssyncset.done @!p0 $0x0  }
0x48: {  	[sflag:s0] =	ssyncadd.s32 @!p0 s1  }
0x49: {  	[bflag:$0x3] =	sbarrier.arrive $0xFFFF  }
0x4a: {  	_ =	shalt  }

</sc_bundles>
